<compile_context>
chip_gen: v7x
topology: tpu7x:2x2x1
jax: 0.10.2.dev20260603
libtpu: 0.0.44.dev20260713+nightly
codegen_flags: <defaults>
</compile_context>

<pallas_src>
import functools

import jax
import jax.numpy as jnp
from jax import lax
from jax.experimental import pallas as pl
from jax.experimental.pallas import tpu as pltpu
from jax.experimental.pallas import tpu_sc as plsc


def _ztab_body(x_ref, pos_ref, w1x_ref, w1p_ref, z_ref):
    x = x_ref[0]
    p = pos_ref[0]
    zx = lax.dot_general(x, w1x_ref[...], (((0,), (1,)), ((), ())),
                         preferred_element_type=jnp.float32)
    zp = lax.dot_general(p, w1p_ref[...], (((0,), (1,)), ((), ())),
                         preferred_element_type=jnp.float32)
    z_ref[0] = zx + zp


def _make_ztab(B, C, N, H1):
    return pl.pallas_call(
        _ztab_body,
        grid=(B,),
        in_specs=[
            pl.BlockSpec((1, C, N), lambda b: (b, 0, 0)),
            pl.BlockSpec((1, 3, N), lambda b: (b, 0, 0)),
            pl.BlockSpec((H1, C), lambda b: (0, 0)),
            pl.BlockSpec((H1, 3), lambda b: (0, 0)),
        ],
        out_specs=pl.BlockSpec((1, N, H1), lambda b: (b, 0, 0)),
        out_shape=jax.ShapeDtypeStruct((B, N, H1), jnp.float32),
    )


def _make_sc_gather(BR, H1, IDXW):
    info = plsc.get_sparse_core_info()
    NC, NS = info.num_cores, info.num_subcores
    NW = NC * NS
    rows_w = BR // NW
    SUB = 1
    CHUNK = SUB * IDXW
    nchunk = rows_w // CHUNK
    assert rows_w % CHUNK == 0
    PK = 128 // H1
    assert CHUNK % PK == 0 and BR % PK == 0

    assert nchunk % 2 == 0
    nhalf = nchunk // 2
    mesh = plsc.VectorSubcoreMesh(core_axis_name="c", subcore_axis_name="s")

    @functools.partial(
        pl.kernel,
        mesh=mesh,
        out_type=jax.ShapeDtypeStruct((BR, H1), jnp.float32),
        scratch_types=[
            pltpu.VMEM((SUB, IDXW), jnp.int32),
            pltpu.VMEM((SUB, IDXW), jnp.int32),
            pltpu.VMEM((CHUNK, H1), jnp.float32),
            pltpu.VMEM((CHUNK, H1), jnp.float32),
            pltpu.SemaphoreType.DMA,
            pltpu.SemaphoreType.DMA,
            pltpu.SemaphoreType.DMA,
            pltpu.SemaphoreType.DMA,
        ],
        compiler_params=pltpu.CompilerParams(use_tc_tiling_on_sc=False),
    )
    def k(tab_hbm, idx_hbm, out_hbm, i0, i1, r0, r1, sg0, sg1, ss0, ss1):
        wid = lax.axis_index("s") * NC + lax.axis_index("c")
        base = wid * rows_w
        ibase = wid * (rows_w // IDXW)

        def idxload(buf, c):
            pltpu.sync_copy(idx_hbm.at[pl.ds(ibase + c * SUB, SUB)], buf)

        def fire_g(ib, rb, sem):
            for j in range(SUB):
                pltpu.async_copy(tab_hbm.at[ib.at[j]],
                                 rb.at[pl.ds(j * IDXW, IDXW)], sem)

        def wait_g(ib, rb, sem):
            for j in range(SUB):
                pltpu.make_async_copy(tab_hbm.at[ib.at[j]],
                                      rb.at[pl.ds(j * IDXW, IDXW)], sem).wait()

        def fire_s(rb, c, sem):
            pltpu.async_copy(rb, out_hbm.at[pl.ds(base + c * CHUNK, CHUNK)], sem)

        def wait_s(rb, sem):
            pltpu.make_async_copy(rb, out_hbm.at[pl.ds(base, CHUNK)], sem).wait()

        idxload(i0, 0)
        fire_g(i0, r0, sg0)

        def body(i, carry):
            c0 = 2 * i
            c1 = c0 + 1
            idxload(i1, c1)

            @pl.when(i > 0)
            def _():
                wait_s(r1, ss1)

            fire_g(i1, r1, sg1)
            wait_g(i0, r0, sg0)
            fire_s(r0, c0, ss0)

            @pl.when(i < nhalf - 1)
            def _():
                idxload(i0, c0 + 2)
                wait_s(r0, ss0)
                fire_g(i0, r0, sg0)

            wait_g(i1, r1, sg1)
            fire_s(r1, c1, ss1)
            return carry

        lax.fori_loop(0, nhalf, body, 0)
        wait_s(r0, ss0)
        wait_s(r1, ss1)

    return k


def _head_body(K, MB, PK, g_ref, sup_ref, w1p_ref, b1_ref, w2b_ref, b2_ref,
               o_ref):
    KP = K // PK
    H1 = w1p_ref.shape[0]
    t = lax.dot_general(sup_ref[0], w1p_ref[...], (((1,), (1,)), ((), ())),
                        preferred_element_type=jnp.float32) - b1_ref[...]
    t4 = jnp.concatenate([t] * PK, axis=1)
    g3 = g_ref[0].reshape(MB, KP, PK * H1)
    r = jnp.maximum(g3 - t4[:, None, :], 0.0).reshape(MB * KP, PK * H1)
    h = lax.dot_general(r, w2b_ref[...], (((1,), (0,)), ((), ())),
                        preferred_element_type=jnp.float32)
    OUT = o_ref.shape[2]
    hm = jnp.max(h.reshape(MB, KP, PK * OUT), axis=1)
    o = hm[:, :OUT]
    for q in range(1, PK):
        o = jnp.maximum(o, hm[:, q * OUT:(q + 1) * OUT])
    o_ref[0] = o + b2_ref[...]


def _make_head(B, M, K, H1, OUT, MB, PK):
    nmb = M // MB
    KP = K // PK
    return pl.pallas_call(
        functools.partial(_head_body, K, MB, PK),
        grid=(B, nmb),
        in_specs=[
            pl.BlockSpec((1, MB * KP, PK * H1), lambda b, i: (b, i, 0)),
            pl.BlockSpec((1, MB, 3), lambda b, i: (b, i, 0)),
            pl.BlockSpec((H1, 3), lambda b, i: (0, 0)),
            pl.BlockSpec((1, H1), lambda b, i: (0, 0)),
            pl.BlockSpec((PK * H1, PK * OUT), lambda b, i: (0, 0)),
            pl.BlockSpec((1, OUT), lambda b, i: (0, 0)),
        ],
        out_specs=pl.BlockSpec((1, MB, OUT), lambda b, i: (b, i, 0)),
        out_shape=jax.ShapeDtypeStruct((B, M, OUT), jnp.float32),
        compiler_params=pltpu.CompilerParams(
            dimension_semantics=("parallel", "parallel")),
    )


def kernel(x, pos, support_points, indices, W1, b1, W2, b2):
    B, C, N = x.shape
    _, M, K = indices.shape
    H1 = W1.shape[0]
    OUT = W2.shape[0]
    W1x = W1[:, :C]
    W1p = W1[:, C:]

    z = _make_ztab(B, C, N, H1)(x, pos, W1x, W1p)

    BRb = M * K
    IDXW = 1000
    PK = 128 // H1
    MB = 1000
    KP = K // PK
    supT = support_points.transpose(0, 2, 1)
    W2blk = jnp.kron(jnp.eye(PK, dtype=W2.dtype), W2.T)
    b1r = b1.reshape(1, H1)
    b2r = b2.reshape(1, OUT)

    gather = _make_sc_gather(BRb, H1, IDXW)
    head = _make_head(1, M, K, H1, OUT, MB=MB, PK=PK)
    outs = []
    for b in range(B):
        idxf = indices[b].reshape(BRb // IDXW, IDXW)
        g = gather(z[b], idxf)
        g4 = g.reshape(1, M * K // PK, PK * H1)
        outs.append(head(g4, supT[b:b + 1], W1p, b1r, W2blk, b2r))
    out = jnp.concatenate(outs, axis=0)
    return out.transpose(0, 2, 1)

# --- scband reference (transcript-rebuilt; emitter-appended) ---
"""Pipeline reference for scband-point-net-21345987461166 (READ-ONLY COPY).

The authoritative reference and input builder live on the scoring server;
editing this copy changes nothing except your own understanding.
"""

import jax, jax.numpy as jnp
import numpy as np


def setup_inputs(seed: int = 0) -> dict:
    key = jax.random.key(seed)
    ks = jax.random.split(key, 8)
    B, C, N, M, K = 2, 128, 10000, 10000, 32
    H1, OUT = 32, 64
    CIN = C + 3  # features concatenated with relative xyz
    x = jax.random.normal(ks[0], (B, C, N), dtype=jnp.float32)
    pos = jax.random.normal(ks[1], (B, 3, N), dtype=jnp.float32)
    support_points = jax.random.normal(ks[2], (B, 3, M), dtype=jnp.float32)
    indices = jax.random.randint(ks[3], (B, M, K), 0, N, dtype=jnp.int32)
    # learned parameters: 1x1 Conv2d stacks == per-point linear layers
    W1 = jax.random.normal(ks[4], (H1, CIN), dtype=jnp.float32) * 0.05
    b1 = jnp.zeros((H1,), dtype=jnp.float32)
    W2 = jax.random.normal(ks[5], (OUT, H1), dtype=jnp.float32) * 0.05
    b2 = jnp.zeros((OUT,), dtype=jnp.float32)
    return {"x": x, "pos": pos, "support_points": support_points, "indices": indices,
            "W1": W1, "b1": b1, "W2": W2, "b2": b2}


def reference(x, pos, support_points, indices, W1, b1, W2, b2):
    # PointNet.forward_with_features
    B, C, N = x.shape
    _, M, K = indices.shape
    idx = indices.reshape(B, 1, M * K)
    # batch_gather(x, dim=2, index=indices) -> [B, C, M, K]
    inp = jnp.take_along_axis(x, idx, axis=2).reshape(B, C, M, K)
    # batch_gather(pos, dim=2, index=indices) -> [B, 3, M, K]
    pts = jnp.take_along_axis(pos, idx, axis=2).reshape(B, 3, M, K)
    # relative coordinates w.r.t. support points
    pts = pts - support_points[:, :, :, None]
    h = jnp.concatenate([inp, pts], axis=1)  # [B, C+3, M, K]
    # net: Conv2d(C+3, 32, 1) -> ReLU -> Conv2d(32, 64, 1)
    h = jnp.einsum('oc,bcmk->bomk', W1, h) + b1[None, :, None, None]
    h = jax.nn.relu(h)
    h = jnp.einsum('oc,bcmk->bomk', W2, h) + b2[None, :, None, None]
    # max over the neighborhood dimension
    features = jnp.max(h, axis=3)  # [B, 64, M]
    return features

if __name__ == "__main__":
    import jax
    _d = setup_inputs()
    print(jax.jit(kernel)(*tuple(_d.values())))

</pallas_src>

<mosaic_0001>
#map = affine_map<(d0, d1) -> (0, 0)>
module attributes {stable_mosaic.version = 14 : i64} {
  func.func @k(%arg0: i32, %arg1: i32, %arg2: memref<10000x32xf32, #tpu.memory_space<hbm>>, %arg3: memref<320x1000xi32, #tpu.memory_space<hbm>>, %arg4: memref<320000x32xf32, #tpu.memory_space<hbm>>, %arg5: memref<1x1000xi32, #tpu.memory_space<vmem>>, %arg6: memref<1x1000xi32, #tpu.memory_space<vmem>>, %arg7: memref<1000x32xf32, #tpu.memory_space<vmem>>, %arg8: memref<1000x32xf32, #tpu.memory_space<vmem>>, %arg9: memref<!tpu.dma_semaphore, #tpu.memory_space<semaphore_mem>>, %arg10: memref<!tpu.dma_semaphore, #tpu.memory_space<semaphore_mem>>, %arg11: memref<!tpu.dma_semaphore, #tpu.memory_space<semaphore_mem>>, %arg12: memref<!tpu.dma_semaphore, #tpu.memory_space<semaphore_mem>>) attributes {dimension_semantics = [#tpu.dimension_semantics<core_parallel>, #tpu.dimension_semantics<subcore_parallel>], iteration_bounds = array<i64: 2, 16>, scalar_prefetch = 0 : i64, scratch_operands = 8 : i64, tpu.core_type = #tpu.core_type<sc_vector_subcore>, window_params = [{transform_indices = #map}, {transform_indices = #map}, {transform_indices = #map}]} {
    %mul3A = arith.constant 2 : i32
    %mul3A_0 = arith.muli %arg1, %mul3A : i32
    %add3A = arith.addi %mul3A_0, %arg0 : i32
    %mul3A_1 = arith.constant 10000 : i32
    %mul3A_2 = arith.muli %add3A, %mul3A_1 : i32
    %mul3A_3 = arith.constant 10 : i32
    %mul3A_4 = arith.muli %add3A, %mul3A_3 : i32
    %add3A_5 = arith.constant 0 : i32
    %add3A_6 = arith.addi %mul3A_4, %add3A_5 : i32
    "tpu.region"() ({
      %run_scoped3A = tpu.sem_alloc : memref<!tpu.dma_semaphore, #tpu.memory_space<semaphore_mem>>
      %dma_start3A_28 = arith.constant 0 : i32
      %dma_start3A_29 = tpu.memref_slice %arg3[%add3A_6, %dma_start3A_28] : memref<320x1000xi32, #tpu.memory_space<hbm>> -> memref<1x1000xi32, #tpu.memory_space<hbm>>
      %dma_start3A_30 = arith.constant 0 : i32
      %dma_start3A_31 = tpu.memref_slice %arg3[%add3A_6, %dma_start3A_30] : memref<320x1000xi32, #tpu.memory_space<hbm>> -> memref<1x1000xi32, #tpu.memory_space<hbm>>
      tpu.enqueue_dma source(%dma_start3A_31 : memref<1x1000xi32, #tpu.memory_space<hbm>>) target(%arg5 : memref<1x1000xi32, #tpu.memory_space<vmem>>) target_semaphore(%run_scoped3A : memref<!tpu.dma_semaphore, #tpu.memory_space<semaphore_mem>>)
      %dma_wait3A_32 = arith.constant 0 : i32
      %dma_wait3A_33 = tpu.memref_slice %arg3[%add3A_6, %dma_wait3A_32] : memref<320x1000xi32, #tpu.memory_space<hbm>> -> memref<1x1000xi32, #tpu.memory_space<hbm>>
      %dma_wait3A_34 = arith.constant 0 : i32
      %dma_wait3A_35 = tpu.memref_slice %arg3[%add3A_6, %dma_wait3A_34] : memref<320x1000xi32, #tpu.memory_space<hbm>> -> memref<1x1000xi32, #tpu.memory_space<hbm>>
      tpu.wait_dma2 semaphore(%run_scoped3A : memref<!tpu.dma_semaphore, #tpu.memory_space<semaphore_mem>>) src(%dma_wait3A_35 : memref<1x1000xi32, #tpu.memory_space<hbm>>) dst(%arg5 : memref<1x1000xi32, #tpu.memory_space<vmem>>)
      tpu.yield
    }) : () -> ()
    %dma_start3A = arith.constant 0 : i32
    %dma_start3A_7 = arith.constant 0 : i32
    %dma_start3A_8 = arith.constant 0 : i32
    %dma_start3A_9 = tpu.memref_slice %arg7[%dma_start3A_7, %dma_start3A_8] : memref<1000x32xf32, #tpu.memory_space<vmem>> -> memref<1000x32xf32, #tpu.memory_space<vmem>>
    %dma_start3A_10 = arith.constant 0 : i32
    %dma_start3A_11 = tpu.memref_slice %arg5[%dma_start3A, %dma_start3A_10] : memref<1x1000xi32, #tpu.memory_space<vmem>> -> memref<1x1000xi32, #tpu.memory_space<vmem>>
    %dma_start3A_12 = tpu.memref_squeeze %dma_start3A_11 : memref<1x1000xi32, #tpu.memory_space<vmem>> -> memref<1000xi32, #tpu.memory_space<vmem>>
    %dma_start3A_13 = arith.constant 0 : i32
    %dma_start3A_14 = arith.constant 0 : i32
    %dma_start3A_15 = tpu.memref_slice %arg2[%dma_start3A_13, %dma_start3A_14] : memref<10000x32xf32, #tpu.memory_space<hbm>> -> memref<10000x32xf32, #tpu.memory_space<hbm>>
    tpu.enqueue_indirect_dma source(%dma_start3A_15 : memref<10000x32xf32, #tpu.memory_space<hbm>>) target(%dma_start3A_9 : memref<1000x32xf32, #tpu.memory_space<vmem>>) offsets(%dma_start3A_12 : memref<1000xi32, #tpu.memory_space<vmem>>) semaphore(%arg9 : memref<!tpu.dma_semaphore, #tpu.memory_space<semaphore_mem>>)
    %scan3A = arith.constant 0 : i32
    %scan3A_16 = arith.constant 0 : i32
    %scan3A_17 = arith.constant 5 : i32
    %scan3A_18 = arith.addi %scan3A_16, %scan3A_17 : i32
    %scan3A_19 = arith.constant 1 : i32
    scf.for %scan3A_28 = %scan3A_16 to %scan3A_18 step %scan3A_19  : i32 {
      %mul3A_29 = arith.constant 2 : i32
      %mul3A_30 = arith.muli %mul3A_29, %scan3A_28 : i32
      %add3A_31 = arith.constant 1 : i32
      %add3A_32 = arith.addi %mul3A_30, %add3A_31 : i32
      %mul3A_33 = arith.constant 1 : i32
      %mul3A_34 = arith.muli %add3A_32, %mul3A_33 : i32
      %add3A_35 = arith.addi %mul3A_4, %mul3A_34 : i32
      "tpu.region"() ({
        %run_scoped3A = tpu.sem_alloc : memref<!tpu.dma_semaphore, #tpu.memory_space<semaphore_mem>>
        %dma_start3A_86 = arith.constant 0 : i32
        %dma_start3A_87 = tpu.memref_slice %arg3[%add3A_35, %dma_start3A_86] : memref<320x1000xi32, #tpu.memory_space<hbm>> -> memref<1x1000xi32, #tpu.memory_space<hbm>>
        %dma_start3A_88 = arith.constant 0 : i32
        %dma_start3A_89 = tpu.memref_slice %arg3[%add3A_35, %dma_start3A_88] : memref<320x1000xi32, #tpu.memory_space<hbm>> -> memref<1x1000xi32, #tpu.memory_space<hbm>>
        tpu.enqueue_dma source(%dma_start3A_89 : memref<1x1000xi32, #tpu.memory_space<hbm>>) target(%arg6 : memref<1x1000xi32, #tpu.memory_space<vmem>>) target_semaphore(%run_scoped3A : memref<!tpu.dma_semaphore, #tpu.memory_space<semaphore_mem>>)
        %dma_wait3A_90 = arith.constant 0 : i32
        %dma_wait3A_91 = tpu.memref_slice %arg3[%add3A_35, %dma_wait3A_90] : memref<320x1000xi32, #tpu.memory_space<hbm>> -> memref<1x1000xi32, #tpu.memory_space<hbm>>
        %dma_wait3A_92 = arith.constant 0 : i32
        %dma_wait3A_93 = tpu.memref_slice %arg3[%add3A_35, %dma_wait3A_92] : memref<320x1000xi32, #tpu.memory_space<hbm>> -> memref<1x1000xi32, #tpu.memory_space<hbm>>
        tpu.wait_dma2 semaphore(%run_scoped3A : memref<!tpu.dma_semaphore, #tpu.memory_space<semaphore_mem>>) src(%dma_wait3A_93 : memref<1x1000xi32, #tpu.memory_space<hbm>>) dst(%arg6 : memref<1x1000xi32, #tpu.memory_space<vmem>>)
        tpu.yield
      }) : () -> ()
      %gt3A = arith.constant 0 : i32
      %gt3A_36 = arith.cmpi sgt, %scan3A_28, %gt3A : i32
      %convert_element_type3A = arith.extui %gt3A_36 : i1 to i32
      %cond3A = arith.constant 0 : i32
      %cond3A_37 = arith.cmpi ne, %convert_element_type3A, %cond3A : i32
      scf.if %cond3A_37 {
        %dma_wait3A_86 = arith.constant 0 : i32
        %dma_wait3A_87 = tpu.memref_slice %arg4[%mul3A_2, %dma_wait3A_86] : memref<320000x32xf32, #tpu.memory_space<hbm>> -> memref<1000x32xf32, #tpu.memory_space<hbm>>
        %dma_wait3A_88 = arith.constant 0 : i32
        %dma_wait3A_89 = tpu.memref_slice %arg4[%mul3A_2, %dma_wait3A_88] : memref<320000x32xf32, #tpu.memory_space<hbm>> -> memref<1000x32xf32, #tpu.memory_space<hbm>>
        tpu.wait_dma2 semaphore(%arg12 : memref<!tpu.dma_semaphore, #tpu.memory_space<semaphore_mem>>) src(%arg8 : memref<1000x32xf32, #tpu.memory_space<vmem>>) dst(%dma_wait3A_89 : memref<1000x32xf32, #tpu.memory_space<hbm>>)
      } else {
      }
      %dma_start3A_38 = arith.constant 0 : i32
      %dma_start3A_39 = arith.constant 0 : i32
      %dma_start3A_40 = arith.constant 0 : i32
      %dma_start3A_41 = tpu.memref_slice %arg8[%dma_start3A_39, %dma_start3A_40] : memref<1000x32xf32, #tpu.memory_space<vmem>> -> memref<1000x32xf32, #tpu.memory_space<vmem>>
      %dma_start3A_42 = arith.constant 0 : i32
      %dma_start3A_43 = tpu.memref_slice %arg6[%dma_start3A_38, %dma_start3A_42] : memref<1x1000xi32, #tpu.memory_space<vmem>> -> memref<1x1000xi32, #tpu.memory_space<vmem>>
      %dma_start3A_44 = tpu.memref_squeeze %dma_start3A_43 : memref<1x1000xi32, #tpu.memory_space<vmem>> -> memref<1000xi32, #tpu.memory_space<vmem>>
      %dma_start3A_45 = arith.constant 0 : i32
      %dma_start3A_46 = arith.constant 0 : i32
      %dma_start3A_47 = tpu.memref_slice %arg2[%dma_start3A_45, %dma_start3A_46] : memref<10000x32xf32, #tpu.memory_space<hbm>> -> memref<10000x32xf32, #tpu.memory_space<hbm>>
      tpu.enqueue_indirect_dma source(%dma_start3A_47 : memref<10000x32xf32, #tpu.memory_space<hbm>>) target(%dma_start3A_41 : memref<1000x32xf32, #tpu.memory_space<vmem>>) offsets(%dma_start3A_44 : memref<1000xi32, #tpu.memory_space<vmem>>) semaphore(%arg10 : memref<!tpu.dma_semaphore, #tpu.memory_space<semaphore_mem>>)
      %dma_wait3A_48 = arith.constant 0 : i32
      %dma_wait3A_49 = arith.constant 0 : i32
      %dma_wait3A_50 = arith.constant 0 : i32
      %dma_wait3A_51 = tpu.memref_slice %arg7[%dma_wait3A_49, %dma_wait3A_50] : memref<1000x32xf32, #tpu.memory_space<vmem>> -> memref<1000x32xf32, #tpu.memory_space<vmem>>
      %dma_wait3A_52 = arith.constant 0 : i32
      %dma_wait3A_53 = tpu.memref_slice %arg5[%dma_wait3A_48, %dma_wait3A_52] : memref<1x1000xi32, #tpu.memory_space<vmem>> -> memref<1x1000xi32, #tpu.memory_space<vmem>>
      %dma_wait3A_54 = tpu.memref_squeeze %dma_wait3A_53 : memref<1x1000xi32, #tpu.memory_space<vmem>> -> memref<1000xi32, #tpu.memory_space<vmem>>
      %dma_wait3A_55 = arith.constant 0 : i32
      %dma_wait3A_56 = arith.constant 0 : i32
      %dma_wait3A_57 = tpu.memref_slice %arg2[%dma_wait3A_55, %dma_wait3A_56] : memref<10000x32xf32, #tpu.memory_space<hbm>> -> memref<10000x32xf32, #tpu.memory_space<hbm>>
      tpu.wait_indirect_dma semaphore(%arg9 : memref<!tpu.dma_semaphore, #tpu.memory_space<semaphore_mem>>) src(%dma_wait3A_57 : memref<10000x32xf32, #tpu.memory_space<hbm>>) dst(%dma_wait3A_51 : memref<1000x32xf32, #tpu.memory_space<vmem>>)
      %mul3A_58 = arith.constant 1000 : i32
      %mul3A_59 = arith.muli %mul3A_30, %mul3A_58 : i32
      %add3A_60 = arith.addi %mul3A_2, %mul3A_59 : i32
      %dma_start3A_61 = arith.constant 0 : i32
      %dma_start3A_62 = tpu.memref_slice %arg4[%add3A_60, %dma_start3A_61] : memref<320000x32xf32, #tpu.memory_space<hbm>> -> memref<1000x32xf32, #tpu.memory_space<hbm>>
      %dma_start3A_63 = arith.constant 0 : i32
      %dma_start3A_64 = tpu.memref_slice %arg4[%add3A_60, %dma_start3A_63] : memref<320000x32xf32, #tpu.memory_space<hbm>> -> memref<1000x32xf32, #tpu.memory_space<hbm>>
      tpu.enqueue_dma source(%arg7 : memref<1000x32xf32, #tpu.memory_space<vmem>>) target(%dma_start3A_64 : memref<1000x32xf32, #tpu.memory_space<hbm>>) target_semaphore(%arg11 : memref<!tpu.dma_semaphore, #tpu.memory_space<semaphore_mem>>)
      %lt3A = arith.constant 4 : i32
      %lt3A_65 = arith.cmpi slt, %scan3A_28, %lt3A : i32
      %convert_element_type3A_66 = arith.extui %lt3A_65 : i1 to i32
      %cond3A_67 = arith.constant 0 : i32
      %cond3A_68 = arith.cmpi ne, %convert_element_type3A_66, %cond3A_67 : i32
      scf.if %cond3A_68 {
        %add3A_86 = arith.constant 2 : i32
        %add3A_87 = arith.addi %mul3A_30, %add3A_86 : i32
        %mul3A_88 = arith.constant 1 : i32
        %mul3A_89 = arith.muli %add3A_87, %mul3A_88 : i32
        %add3A_90 = arith.addi %mul3A_4, %mul3A_89 : i32
        "tpu.region"() ({
          %run_scoped3A = tpu.sem_alloc : memref<!tpu.dma_semaphore, #tpu.memory_space<semaphore_mem>>
          %dma_start3A_105 = arith.constant 0 : i32
          %dma_start3A_106 = tpu.memref_slice %arg3[%add3A_90, %dma_start3A_105] : memref<320x1000xi32, #tpu.memory_space<hbm>> -> memref<1x1000xi32, #tpu.memory_space<hbm>>
          %dma_start3A_107 = arith.constant 0 : i32
          %dma_start3A_108 = tpu.memref_slice %arg3[%add3A_90, %dma_start3A_107] : memref<320x1000xi32, #tpu.memory_space<hbm>> -> memref<1x1000xi32, #tpu.memory_space<hbm>>
          tpu.enqueue_dma source(%dma_start3A_108 : memref<1x1000xi32, #tpu.memory_space<hbm>>) target(%arg5 : memref<1x1000xi32, #tpu.memory_space<vmem>>) target_semaphore(%run_scoped3A : memref<!tpu.dma_semaphore, #tpu.memory_space<semaphore_mem>>)
          %dma_wait3A_109 = arith.constant 0 : i32
          %dma_wait3A_110 = tpu.memref_slice %arg3[%add3A_90, %dma_wait3A_109] : memref<320x1000xi32, #tpu.memory_space<hbm>> -> memref<1x1000xi32, #tpu.memory_space<hbm>>
          %dma_wait3A_111 = arith.constant 0 : i32
          %dma_wait3A_112 = tpu.memref_slice %arg3[%add3A_90, %dma_wait3A_111] : memref<320x1000xi32, #tpu.memory_space<hbm>> -> memref<1x1000xi32, #tpu.memory_space<hbm>>
          tpu.wait_dma2 semaphore(%run_scoped3A : memref<!tpu.dma_semaphore, #tpu.memory_space<semaphore_mem>>) src(%dma_wait3A_112 : memref<1x1000xi32, #tpu.memory_space<hbm>>) dst(%arg5 : memref<1x1000xi32, #tpu.memory_space<vmem>>)
          tpu.yield
        }) : () -> ()
        %dma_wait3A_91 = arith.constant 0 : i32
        %dma_wait3A_92 = tpu.memref_slice %arg4[%mul3A_2, %dma_wait3A_91] : memref<320000x32xf32, #tpu.memory_space<hbm>> -> memref<1000x32xf32, #tpu.memory_space<hbm>>
        %dma_wait3A_93 = arith.constant 0 : i32
        %dma_wait3A_94 = tpu.memref_slice %arg4[%mul3A_2, %dma_wait3A_93] : memref<320000x32xf32, #tpu.memory_space<hbm>> -> memref<1000x32xf32, #tpu.memory_space<hbm>>
        tpu.wait_dma2 semaphore(%arg11 : memref<!tpu.dma_semaphore, #tpu.memory_space<semaphore_mem>>) src(%arg7 : memref<1000x32xf32, #tpu.memory_space<vmem>>) dst(%dma_wait3A_94 : memref<1000x32xf32, #tpu.memory_space<hbm>>)
        %dma_start3A_95 = arith.constant 0 : i32
        %dma_start3A_96 = arith.constant 0 : i32
        %dma_start3A_97 = arith.constant 0 : i32
        %dma_start3A_98 = tpu.memref_slice %arg7[%dma_start3A_96, %dma_start3A_97] : memref<1000x32xf32, #tpu.memory_space<vmem>> -> memref<1000x32xf32, #tpu.memory_space<vmem>>
        %dma_start3A_99 = arith.constant 0 : i32
        %dma_start3A_100 = tpu.memref_slice %arg5[%dma_start3A_95, %dma_start3A_99] : memref<1x1000xi32, #tpu.memory_space<vmem>> -> memref<1x1000xi32, #tpu.memory_space<vmem>>
        %dma_start3A_101 = tpu.memref_squeeze %dma_start3A_100 : memref<1x1000xi32, #tpu.memory_space<vmem>> -> memref<1000xi32, #tpu.memory_space<vmem>>
        %dma_start3A_102 = arith.constant 0 : i32
        %dma_start3A_103 = arith.constant 0 : i32
        %dma_start3A_104 = tpu.memref_slice %arg2[%dma_start3A_102, %dma_start3A_103] : memref<10000x32xf32, #tpu.memory_space<hbm>> -> memref<10000x32xf32, #tpu.memory_space<hbm>>
        tpu.enqueue_indirect_dma source(%dma_start3A_104 : memref<10000x32xf32, #tpu.memory_space<hbm>>) target(%dma_start3A_98 : memref<1000x32xf32, #tpu.memory_space<vmem>>) offsets(%dma_start3A_101 : memref<1000xi32, #tpu.memory_space<vmem>>) semaphore(%arg9 : memref<!tpu.dma_semaphore, #tpu.memory_space<semaphore_mem>>)
      } else {
      }
      %dma_wait3A_69 = arith.constant 0 : i32
      %dma_wait3A_70 = arith.constant 0 : i32
      %dma_wait3A_71 = arith.constant 0 : i32
      %dma_wait3A_72 = tpu.memref_slice %arg8[%dma_wait3A_70, %dma_wait3A_71] : memref<1000x32xf32, #tpu.memory_space<vmem>> -> memref<1000x32xf32, #tpu.memory_space<vmem>>
      %dma_wait3A_73 = arith.constant 0 : i32
      %dma_wait3A_74 = tpu.memref_slice %arg6[%dma_wait3A_69, %dma_wait3A_73] : memref<1x1000xi32, #tpu.memory_space<vmem>> -> memref<1x1000xi32, #tpu.memory_space<vmem>>
      %dma_wait3A_75 = tpu.memref_squeeze %dma_wait3A_74 : memref<1x1000xi32, #tpu.memory_space<vmem>> -> memref<1000xi32, #tpu.memory_space<vmem>>
      %dma_wait3A_76 = arith.constant 0 : i32
      %dma_wait3A_77 = arith.constant 0 : i32
      %dma_wait3A_78 = tpu.memref_slice %arg2[%dma_wait3A_76, %dma_wait3A_77] : memref<10000x32xf32, #tpu.memory_space<hbm>> -> memref<10000x32xf32, #tpu.memory_space<hbm>>
      tpu.wait_indirect_dma semaphore(%arg10 : memref<!tpu.dma_semaphore, #tpu.memory_space<semaphore_mem>>) src(%dma_wait3A_78 : memref<10000x32xf32, #tpu.memory_space<hbm>>) dst(%dma_wait3A_72 : memref<1000x32xf32, #tpu.memory_space<vmem>>)
      %mul3A_79 = arith.constant 1000 : i32
      %mul3A_80 = arith.muli %add3A_32, %mul3A_79 : i32
      %add3A_81 = arith.addi %mul3A_2, %mul3A_80 : i32
      %dma_start3A_82 = arith.constant 0 : i32
      %dma_start3A_83 = tpu.memref_slice %arg4[%add3A_81, %dma_start3A_82] : memref<320000x32xf32, #tpu.memory_space<hbm>> -> memref<1000x32xf32, #tpu.memory_space<hbm>>
      %dma_start3A_84 = arith.constant 0 : i32
      %dma_start3A_85 = tpu.memref_slice %arg4[%add3A_81, %dma_start3A_84] : memref<320000x32xf32, #tpu.memory_space<hbm>> -> memref<1000x32xf32, #tpu.memory_space<hbm>>
      tpu.enqueue_dma source(%arg8 : memref<1000x32xf32, #tpu.memory_space<vmem>>) target(%dma_start3A_85 : memref<1000x32xf32, #tpu.memory_space<hbm>>) target_semaphore(%arg12 : memref<!tpu.dma_semaphore, #tpu.memory_space<semaphore_mem>>)
    }
    %scan3A_20 = arith.constant 5 : i32
    %dma_wait3A = arith.constant 0 : i32
    %dma_wait3A_21 = tpu.memref_slice %arg4[%mul3A_2, %dma_wait3A] : memref<320000x32xf32, #tpu.memory_space<hbm>> -> memref<1000x32xf32, #tpu.memory_space<hbm>>
    %dma_wait3A_22 = arith.constant 0 : i32
    %dma_wait3A_23 = tpu.memref_slice %arg4[%mul3A_2, %dma_wait3A_22] : memref<320000x32xf32, #tpu.memory_space<hbm>> -> memref<1000x32xf32, #tpu.memory_space<hbm>>
    tpu.wait_dma2 semaphore(%arg11 : memref<!tpu.dma_semaphore, #tpu.memory_space<semaphore_mem>>) src(%arg7 : memref<1000x32xf32, #tpu.memory_space<vmem>>) dst(%dma_wait3A_23 : memref<1000x32xf32, #tpu.memory_space<hbm>>)
    %dma_wait3A_24 = arith.constant 0 : i32
    %dma_wait3A_25 = tpu.memref_slice %arg4[%mul3A_2, %dma_wait3A_24] : memref<320000x32xf32, #tpu.memory_space<hbm>> -> memref<1000x32xf32, #tpu.memory_space<hbm>>
    %dma_wait3A_26 = arith.constant 0 : i32
    %dma_wait3A_27 = tpu.memref_slice %arg4[%mul3A_2, %dma_wait3A_26] : memref<320000x32xf32, #tpu.memory_space<hbm>> -> memref<1000x32xf32, #tpu.memory_space<hbm>>
    tpu.wait_dma2 semaphore(%arg12 : memref<!tpu.dma_semaphore, #tpu.memory_space<semaphore_mem>>) src(%arg8 : memref<1000x32xf32, #tpu.memory_space<vmem>>) dst(%dma_wait3A_27 : memref<1000x32xf32, #tpu.memory_space<hbm>>)
    return
  }
}

#map = affine_map<(d0, d1) -> (0, 0)>
module attributes {stable_mosaic.version = 14 : i64} {
  func.func @k(%arg0: i32, %arg1: i32, %arg2: memref<10000x32xf32, #tpu.memory_space<hbm>>, %arg3: memref<320x1000xi32, #tpu.memory_space<hbm>>, %arg4: memref<320000x32xf32, #tpu.memory_space<hbm>>, %arg5: memref<1x1000xi32, #tpu.memory_space<vmem>>, %arg6: memref<1x1000xi32, #tpu.memory_space<vmem>>, %arg7: memref<1000x32xf32, #tpu.memory_space<vmem>>, %arg8: memref<1000x32xf32, #tpu.memory_space<vmem>>, %arg9: memref<!tpu.dma_semaphore, #tpu.memory_space<semaphore_mem>>, %arg10: memref<!tpu.dma_semaphore, #tpu.memory_space<semaphore_mem>>, %arg11: memref<!tpu.dma_semaphore, #tpu.memory_space<semaphore_mem>>, %arg12: memref<!tpu.dma_semaphore, #tpu.memory_space<semaphore_mem>>) attributes {dimension_semantics = [#tpu.dimension_semantics<core_parallel>, #tpu.dimension_semantics<subcore_parallel>], iteration_bounds = array<i64: 2, 16>, scalar_prefetch = 0 : i64, scratch_operands = 8 : i64, tpu.core_type = #tpu.core_type<sc_vector_subcore>, window_params = [{transform_indices = #map}, {transform_indices = #map}, {transform_indices = #map}]} {
    %mul3A = arith.constant 2 : i32
    %mul3A_0 = arith.muli %arg1, %mul3A : i32
    %add3A = arith.addi %mul3A_0, %arg0 : i32
    %mul3A_1 = arith.constant 10000 : i32
    %mul3A_2 = arith.muli %add3A, %mul3A_1 : i32
    %mul3A_3 = arith.constant 10 : i32
    %mul3A_4 = arith.muli %add3A, %mul3A_3 : i32
    %add3A_5 = arith.constant 0 : i32
    %add3A_6 = arith.addi %mul3A_4, %add3A_5 : i32
    "tpu.region"() ({
      %run_scoped3A = tpu.sem_alloc : memref<!tpu.dma_semaphore, #tpu.memory_space<semaphore_mem>>
      %dma_start3A_28 = arith.constant 0 : i32
      %dma_start3A_29 = tpu.memref_slice %arg3[%add3A_6, %dma_start3A_28] : memref<320x1000xi32, #tpu.memory_space<hbm>> -> memref<1x1000xi32, #tpu.memory_space<hbm>>
      %dma_start3A_30 = arith.constant 0 : i32
      %dma_start3A_31 = tpu.memref_slice %arg3[%add3A_6, %dma_start3A_30] : memref<320x1000xi32, #tpu.memory_space<hbm>> -> memref<1x1000xi32, #tpu.memory_space<hbm>>
      tpu.enqueue_dma source(%dma_start3A_31 : memref<1x1000xi32, #tpu.memory_space<hbm>>) target(%arg5 : memref<1x1000xi32, #tpu.memory_space<vmem>>) target_semaphore(%run_scoped3A : memref<!tpu.dma_semaphore, #tpu.memory_space<semaphore_mem>>)
      %dma_wait3A_32 = arith.constant 0 : i32
      %dma_wait3A_33 = tpu.memref_slice %arg3[%add3A_6, %dma_wait3A_32] : memref<320x1000xi32, #tpu.memory_space<hbm>> -> memref<1x1000xi32, #tpu.memory_space<hbm>>
      %dma_wait3A_34 = arith.constant 0 : i32
      %dma_wait3A_35 = tpu.memref_slice %arg3[%add3A_6, %dma_wait3A_34] : memref<320x1000xi32, #tpu.memory_space<hbm>> -> memref<1x1000xi32, #tpu.memory_space<hbm>>
      tpu.wait_dma2 semaphore(%run_scoped3A : memref<!tpu.dma_semaphore, #tpu.memory_space<semaphore_mem>>) src(%dma_wait3A_35 : memref<1x1000xi32, #tpu.memory_space<hbm>>) dst(%arg5 : memref<1x1000xi32, #tpu.memory_space<vmem>>)
      tpu.yield
    }) : () -> ()
    %dma_start3A = arith.constant 0 : i32
    %dma_start3A_7 = arith.constant 0 : i32
    %dma_start3A_8 = arith.constant 0 : i32
    %dma_start3A_9 = tpu.memref_slice %arg7[%dma_start3A_7, %dma_start3A_8] : memref<1000x32xf32, #tpu.memory_space<vmem>> -> memref<1000x32xf32, #tpu.memory_space<vmem>>
    %dma_start3A_10 = arith.constant 0 : i32
    %dma_start3A_11 = tpu.memref_slice %arg5[%dma_start3A, %dma_start3A_10] : memref<1x1000xi32, #tpu.memory_space<vmem>> -> memref<1x1000xi32, #tpu.memory_space<vmem>>
    %dma_start3A_12 = tpu.memref_squeeze %dma_start3A_11 : memref<1x1000xi32, #tpu.memory_space<vmem>> -> memref<1000xi32, #tpu.memory_space<vmem>>
    %dma_start3A_13 = arith.constant 0 : i32
    %dma_start3A_14 = arith.constant 0 : i32
    %dma_start3A_15 = tpu.memref_slice %arg2[%dma_start3A_13, %dma_start3A_14] : memref<10000x32xf32, #tpu.memory_space<hbm>> -> memref<10000x32xf32, #tpu.memory_space<hbm>>
    tpu.enqueue_indirect_dma source(%dma_start3A_15 : memref<10000x32xf32, #tpu.memory_space<hbm>>) target(%dma_start3A_9 : memref<1000x32xf32, #tpu.memory_space<vmem>>) offsets(%dma_start3A_12 : memref<1000xi32, #tpu.memory_space<vmem>>) semaphore(%arg9 : memref<!tpu.dma_semaphore, #tpu.memory_space<semaphore_mem>>)
    %scan3A = arith.constant 0 : i32
    %scan3A_16 = arith.constant 0 : i32
    %scan3A_17 = arith.constant 5 : i32
    %scan3A_18 = arith.addi %scan3A_16, %scan3A_17 : i32
    %scan3A_19 = arith.constant 1 : i32
    scf.for %scan3A_28 = %scan3A_16 to %scan3A_18 step %scan3A_19  : i32 {
      %mul3A_29 = arith.constant 2 : i32
      %mul3A_30 = arith.muli %mul3A_29, %scan3A_28 : i32
      %add3A_31 = arith.constant 1 : i32
      %add3A_32 = arith.addi %mul3A_30, %add3A_31 : i32
      %mul3A_33 = arith.constant 1 : i32
      %mul3A_34 = arith.muli %add3A_32, %mul3A_33 : i32
      %add3A_35 = arith.addi %mul3A_4, %mul3A_34 : i32
      "tpu.region"() ({
        %run_scoped3A = tpu.sem_alloc : memref<!tpu.dma_semaphore, #tpu.memory_space<semaphore_mem>>
        %dma_start3A_86 = arith.constant 0 : i32
        %dma_start3A_87 = tpu.memref_slice %arg3[%add3A_35, %dma_start3A_86] : memref<320x1000xi32, #tpu.memory_space<hbm>> -> memref<1x1000xi32, #tpu.memory_space<hbm>>
        %dma_start3A_88 = arith.constant 0 : i32
        %dma_start3A_89 = tpu.memref_slice %arg3[%add3A_35, %dma_start3A_88] : memref<320x1000xi32, #tpu.memory_space<hbm>> -> memref<1x1000xi32, #tpu.memory_space<hbm>>
        tpu.enqueue_dma source(%dma_start3A_89 : memref<1x1000xi32, #tpu.memory_space<hbm>>) target(%arg6 : memref<1x1000xi32, #tpu.memory_space<vmem>>) target_semaphore(%run_scoped3A : memref<!tpu.dma_semaphore, #tpu.memory_space<semaphore_mem>>)
        %dma_wait3A_90 = arith.constant 0 : i32
        %dma_wait3A_91 = tpu.memref_slice %arg3[%add3A_35, %dma_wait3A_90] : memref<320x1000xi32, #tpu.memory_space<hbm>> -> memref<1x1000xi32, #tpu.memory_space<hbm>>
        %dma_wait3A_92 = arith.constant 0 : i32
        %dma_wait3A_93 = tpu.memref_slice %arg3[%add3A_35, %dma_wait3A_92] : memref<320x1000xi32, #tpu.memory_space<hbm>> -> memref<1x1000xi32, #tpu.memory_space<hbm>>
        tpu.wait_dma2 semaphore(%run_scoped3A : memref<!tpu.dma_semaphore, #tpu.memory_space<semaphore_mem>>) src(%dma_wait3A_93 : memref<1x1000xi32, #tpu.memory_space<hbm>>) dst(%arg6 : memref<1x1000xi32, #tpu.memory_space<vmem>>)
        tpu.yield
      }) : () -> ()
      %gt3A = arith.constant 0 : i32
      %gt3A_36 = arith.cmpi sgt, %scan3A_28, %gt3A : i32
      %convert_element_type3A = arith.extui %gt3A_36 : i1 to i32
      %cond3A = arith.constant 0 : i32
      %cond3A_37 = arith.cmpi ne, %convert_element_type3A, %cond3A : i32
      scf.if %cond3A_37 {
        %dma_wait3A_86 = arith.constant 0 : i32
        %dma_wait3A_87 = tpu.memref_slice %arg4[%mul3A_2, %dma_wait3A_86] : memref<320000x32xf32, #tpu.memory_space<hbm>> -> memref<1000x32xf32, #tpu.memory_space<hbm>>
        %dma_wait3A_88 = arith.constant 0 : i32
        %dma_wait3A_89 = tpu.memref_slice %arg4[%mul3A_2, %dma_wait3A_88] : memref<320000x32xf32, #tpu.memory_space<hbm>> -> memref<1000x32xf32, #tpu.memory_space<hbm>>
        tpu.wait_dma2 semaphore(%arg12 : memref<!tpu.dma_semaphore, #tpu.memory_space<semaphore_mem>>) src(%arg8 : memref<1000x32xf32, #tpu.memory_space<vmem>>) dst(%dma_wait3A_89 : memref<1000x32xf32, #tpu.memory_space<hbm>>)
      } else {
      }
      %dma_start3A_38 = arith.constant 0 : i32
      %dma_start3A_39 = arith.constant 0 : i32
      %dma_start3A_40 = arith.constant 0 : i32
      %dma_start3A_41 = tpu.memref_slice %arg8[%dma_start3A_39, %dma_start3A_40] : memref<1000x32xf32, #tpu.memory_space<vmem>> -> memref<1000x32xf32, #tpu.memory_space<vmem>>
      %dma_start3A_42 = arith.constant 0 : i32
      %dma_start3A_43 = tpu.memref_slice %arg6[%dma_start3A_38, %dma_start3A_42] : memref<1x1000xi32, #tpu.memory_space<vmem>> -> memref<1x1000xi32, #tpu.memory_space<vmem>>
      %dma_start3A_44 = tpu.memref_squeeze %dma_start3A_43 : memref<1x1000xi32, #tpu.memory_space<vmem>> -> memref<1000xi32, #tpu.memory_space<vmem>>
      %dma_start3A_45 = arith.constant 0 : i32
      %dma_start3A_46 = arith.constant 0 : i32
      %dma_start3A_47 = tpu.memref_slice %arg2[%dma_start3A_45, %dma_start3A_46] : memref<10000x32xf32, #tpu.memory_space<hbm>> -> memref<10000x32xf32, #tpu.memory_space<hbm>>
      tpu.enqueue_indirect_dma source(%dma_start3A_47 : memref<10000x32xf32, #tpu.memory_space<hbm>>) target(%dma_start3A_41 : memref<1000x32xf32, #tpu.memory_space<vmem>>) offsets(%dma_start3A_44 : memref<1000xi32, #tpu.memory_space<vmem>>) semaphore(%arg10 : memref<!tpu.dma_semaphore, #tpu.memory_space<semaphore_mem>>)
      %dma_wait3A_48 = arith.constant 0 : i32
      %dma_wait3A_49 = arith.constant 0 : i32
      %dma_wait3A_50 = arith.constant 0 : i32
      %dma_wait3A_51 = tpu.memref_slice %arg7[%dma_wait3A_49, %dma_wait3A_50] : memref<1000x32xf32, #tpu.memory_space<vmem>> -> memref<1000x32xf32, #tpu.memory_space<vmem>>
      %dma_wait3A_52 = arith.constant 0 : i32
      %dma_wait3A_53 = tpu.memref_slice %arg5[%dma_wait3A_48, %dma_wait3A_52] : memref<1x1000xi32, #tpu.memory_space<vmem>> -> memref<1x1000xi32, #tpu.memory_space<vmem>>
      %dma_wait3A_54 = tpu.memref_squeeze %dma_wait3A_53 : memref<1x1000xi32, #tpu.memory_space<vmem>> -> memref<1000xi32, #tpu.memory_space<vmem>>
      %dma_wait3A_55 = arith.constant 0 : i32
      %dma_wait3A_56 = arith.constant 0 : i32
      %dma_wait3A_57 = tpu.memref_slice %arg2[%dma_wait3A_55, %dma_wait3A_56] : memref<10000x32xf32, #tpu.memory_space<hbm>> -> memref<10000x32xf32, #tpu.memory_space<hbm>>
      tpu.wait_indirect_dma semaphore(%arg9 : memref<!tpu.dma_semaphore, #tpu.memory_space<semaphore_mem>>) src(%dma_wait3A_57 : memref<10000x32xf32, #tpu.memory_space<hbm>>) dst(%dma_wait3A_51 : memref<1000x32xf32, #tpu.memory_space<vmem>>)
      %mul3A_58 = arith.constant 1000 : i32
      %mul3A_59 = arith.muli %mul3A_30, %mul3A_58 : i32
      %add3A_60 = arith.addi %mul3A_2, %mul3A_59 : i32
      %dma_start3A_61 = arith.constant 0 : i32
      %dma_start3A_62 = tpu.memref_slice %arg4[%add3A_60, %dma_start3A_61] : memref<320000x32xf32, #tpu.memory_space<hbm>> -> memref<1000x32xf32, #tpu.memory_space<hbm>>
      %dma_start3A_63 = arith.constant 0 : i32
      %dma_start3A_64 = tpu.memref_slice %arg4[%add3A_60, %dma_start3A_63] : memref<320000x32xf32, #tpu.memory_space<hbm>> -> memref<1000x32xf32, #tpu.memory_space<hbm>>
      tpu.enqueue_dma source(%arg7 : memref<1000x32xf32, #tpu.memory_space<vmem>>) target(%dma_start3A_64 : memref<1000x32xf32, #tpu.memory_space<hbm>>) target_semaphore(%arg11 : memref<!tpu.dma_semaphore, #tpu.memory_space<semaphore_mem>>)
      %lt3A = arith.constant 4 : i32
      %lt3A_65 = arith.cmpi slt, %scan3A_28, %lt3A : i32
      %convert_element_type3A_66 = arith.extui %lt3A_65 : i1 to i32
      %cond3A_67 = arith.constant 0 : i32
      %cond3A_68 = arith.cmpi ne, %convert_element_type3A_66, %cond3A_67 : i32
      scf.if %cond3A_68 {
        %add3A_86 = arith.constant 2 : i32
        %add3A_87 = arith.addi %mul3A_30, %add3A_86 : i32
        %mul3A_88 = arith.constant 1 : i32
        %mul3A_89 = arith.muli %add3A_87, %mul3A_88 : i32
        %add3A_90 = arith.addi %mul3A_4, %mul3A_89 : i32
        "tpu.region"() ({
          %run_scoped3A = tpu.sem_alloc : memref<!tpu.dma_semaphore, #tpu.memory_space<semaphore_mem>>
          %dma_start3A_105 = arith.constant 0 : i32
          %dma_start3A_106 = tpu.memref_slice %arg3[%add3A_90, %dma_start3A_105] : memref<320x1000xi32, #tpu.memory_space<hbm>> -> memref<1x1000xi32, #tpu.memory_space<hbm>>
          %dma_start3A_107 = arith.constant 0 : i32
          %dma_start3A_108 = tpu.memref_slice %arg3[%add3A_90, %dma_start3A_107] : memref<320x1000xi32, #tpu.memory_space<hbm>> -> memref<1x1000xi32, #tpu.memory_space<hbm>>
          tpu.enqueue_dma source(%dma_start3A_108 : memref<1x1000xi32, #tpu.memory_space<hbm>>) target(%arg5 : memref<1x1000xi32, #tpu.memory_space<vmem>>) target_semaphore(%run_scoped3A : memref<!tpu.dma_semaphore, #tpu.memory_space<semaphore_mem>>)
          %dma_wait3A_109 = arith.constant 0 : i32
          %dma_wait3A_110 = tpu.memref_slice %arg3[%add3A_90, %dma_wait3A_109] : memref<320x1000xi32, #tpu.memory_space<hbm>> -> memref<1x1000xi32, #tpu.memory_space<hbm>>
          %dma_wait3A_111 = arith.constant 0 : i32
          %dma_wait3A_112 = tpu.memref_slice %arg3[%add3A_90, %dma_wait3A_111] : memref<320x1000xi32, #tpu.memory_space<hbm>> -> memref<1x1000xi32, #tpu.memory_space<hbm>>
          tpu.wait_dma2 semaphore(%run_scoped3A : memref<!tpu.dma_semaphore, #tpu.memory_space<semaphore_mem>>) src(%dma_wait3A_112 : memref<1x1000xi32, #tpu.memory_space<hbm>>) dst(%arg5 : memref<1x1000xi32, #tpu.memory_space<vmem>>)
          tpu.yield
        }) : () -> ()
        %dma_wait3A_91 = arith.constant 0 : i32
        %dma_wait3A_92 = tpu.memref_slice %arg4[%mul3A_2, %dma_wait3A_91] : memref<320000x32xf32, #tpu.memory_space<hbm>> -> memref<1000x32xf32, #tpu.memory_space<hbm>>
        %dma_wait3A_93 = arith.constant 0 : i32
        %dma_wait3A_94 = tpu.memref_slice %arg4[%mul3A_2, %dma_wait3A_93] : memref<320000x32xf32, #tpu.memory_space<hbm>> -> memref<1000x32xf32, #tpu.memory_space<hbm>>
        tpu.wait_dma2 semaphore(%arg11 : memref<!tpu.dma_semaphore, #tpu.memory_space<semaphore_mem>>) src(%arg7 : memref<1000x32xf32, #tpu.memory_space<vmem>>) dst(%dma_wait3A_94 : memref<1000x32xf32, #tpu.memory_space<hbm>>)
        %dma_start3A_95 = arith.constant 0 : i32
        %dma_start3A_96 = arith.constant 0 : i32
        %dma_start3A_97 = arith.constant 0 : i32
        %dma_start3A_98 = tpu.memref_slice %arg7[%dma_start3A_96, %dma_start3A_97] : memref<1000x32xf32, #tpu.memory_space<vmem>> -> memref<1000x32xf32, #tpu.memory_space<vmem>>
        %dma_start3A_99 = arith.constant 0 : i32
        %dma_start3A_100 = tpu.memref_slice %arg5[%dma_start3A_95, %dma_start3A_99] : memref<1x1000xi32, #tpu.memory_space<vmem>> -> memref<1x1000xi32, #tpu.memory_space<vmem>>
        %dma_start3A_101 = tpu.memref_squeeze %dma_start3A_100 : memref<1x1000xi32, #tpu.memory_space<vmem>> -> memref<1000xi32, #tpu.memory_space<vmem>>
        %dma_start3A_102 = arith.constant 0 : i32
        %dma_start3A_103 = arith.constant 0 : i32
        %dma_start3A_104 = tpu.memref_slice %arg2[%dma_start3A_102, %dma_start3A_103] : memref<10000x32xf32, #tpu.memory_space<hbm>> -> memref<10000x32xf32, #tpu.memory_space<hbm>>
        tpu.enqueue_indirect_dma source(%dma_start3A_104 : memref<10000x32xf32, #tpu.memory_space<hbm>>) target(%dma_start3A_98 : memref<1000x32xf32, #tpu.memory_space<vmem>>) offsets(%dma_start3A_101 : memref<1000xi32, #tpu.memory_space<vmem>>) semaphore(%arg9 : memref<!tpu.dma_semaphore, #tpu.memory_space<semaphore_mem>>)
      } else {
      }
      %dma_wait3A_69 = arith.constant 0 : i32
      %dma_wait3A_70 = arith.constant 0 : i32
      %dma_wait3A_71 = arith.constant 0 : i32
      %dma_wait3A_72 = tpu.memref_slice %arg8[%dma_wait3A_70, %dma_wait3A_71] : memref<1000x32xf32, #tpu.memory_space<vmem>> -> memref<1000x32xf32, #tpu.memory_space<vmem>>
      %dma_wait3A_73 = arith.constant 0 : i32
      %dma_wait3A_74 = tpu.memref_slice %arg6[%dma_wait3A_69, %dma_wait3A_73] : memref<1x1000xi32, #tpu.memory_space<vmem>> -> memref<1x1000xi32, #tpu.memory_space<vmem>>
      %dma_wait3A_75 = tpu.memref_squeeze %dma_wait3A_74 : memref<1x1000xi32, #tpu.memory_space<vmem>> -> memref<1000xi32, #tpu.memory_space<vmem>>
      %dma_wait3A_76 = arith.constant 0 : i32
      %dma_wait3A_77 = arith.constant 0 : i32
      %dma_wait3A_78 = tpu.memref_slice %arg2[%dma_wait3A_76, %dma_wait3A_77] : memref<10000x32xf32, #tpu.memory_space<hbm>> -> memref<10000x32xf32, #tpu.memory_space<hbm>>
      tpu.wait_indirect_dma semaphore(%arg10 : memref<!tpu.dma_semaphore, #tpu.memory_space<semaphore_mem>>) src(%dma_wait3A_78 : memref<10000x32xf32, #tpu.memory_space<hbm>>) dst(%dma_wait3A_72 : memref<1000x32xf32, #tpu.memory_space<vmem>>)
      %mul3A_79 = arith.constant 1000 : i32
      %mul3A_80 = arith.muli %add3A_32, %mul3A_79 : i32
      %add3A_81 = arith.addi %mul3A_2, %mul3A_80 : i32
      %dma_start3A_82 = arith.constant 0 : i32
      %dma_start3A_83 = tpu.memref_slice %arg4[%add3A_81, %dma_start3A_82] : memref<320000x32xf32, #tpu.memory_space<hbm>> -> memref<1000x32xf32, #tpu.memory_space<hbm>>
      %dma_start3A_84 = arith.constant 0 : i32
      %dma_start3A_85 = tpu.memref_slice %arg4[%add3A_81, %dma_start3A_84] : memref<320000x32xf32, #tpu.memory_space<hbm>> -> memref<1000x32xf32, #tpu.memory_space<hbm>>
      tpu.enqueue_dma source(%arg8 : memref<1000x32xf32, #tpu.memory_space<vmem>>) target(%dma_start3A_85 : memref<1000x32xf32, #tpu.memory_space<hbm>>) target_semaphore(%arg12 : memref<!tpu.dma_semaphore, #tpu.memory_space<semaphore_mem>>)
    }
    %scan3A_20 = arith.constant 5 : i32
    %dma_wait3A = arith.constant 0 : i32
    %dma_wait3A_21 = tpu.memref_slice %arg4[%mul3A_2, %dma_wait3A] : memref<320000x32xf32, #tpu.memory_space<hbm>> -> memref<1000x32xf32, #tpu.memory_space<hbm>>
    %dma_wait3A_22 = arith.constant 0 : i32
    %dma_wait3A_23 = tpu.memref_slice %arg4[%mul3A_2, %dma_wait3A_22] : memref<320000x32xf32, #tpu.memory_space<hbm>> -> memref<1000x32xf32, #tpu.memory_space<hbm>>
    tpu.wait_dma2 semaphore(%arg11 : memref<!tpu.dma_semaphore, #tpu.memory_space<semaphore_mem>>) src(%arg7 : memref<1000x32xf32, #tpu.memory_space<vmem>>) dst(%dma_wait3A_23 : memref<1000x32xf32, #tpu.memory_space<hbm>>)
    %dma_wait3A_24 = arith.constant 0 : i32
    %dma_wait3A_25 = tpu.memref_slice %arg4[%mul3A_2, %dma_wait3A_24] : memref<320000x32xf32, #tpu.memory_space<hbm>> -> memref<1000x32xf32, #tpu.memory_space<hbm>>
    %dma_wait3A_26 = arith.constant 0 : i32
    %dma_wait3A_27 = tpu.memref_slice %arg4[%mul3A_2, %dma_wait3A_26] : memref<320000x32xf32, #tpu.memory_space<hbm>> -> memref<1000x32xf32, #tpu.memory_space<hbm>>
    tpu.wait_dma2 semaphore(%arg12 : memref<!tpu.dma_semaphore, #tpu.memory_space<semaphore_mem>>) src(%arg8 : memref<1000x32xf32, #tpu.memory_space<vmem>>) dst(%dma_wait3A_27 : memref<1000x32xf32, #tpu.memory_space<hbm>>)
    return
  }
}

module attributes {stable_mosaic.version = 14 : i64} {
  func.func @_ztab_body(%arg0: i32, %arg1: memref<1x128x10000xf32, #tpu.memory_space<vmem>>, %arg2: memref<1x3x10000xf32, #tpu.memory_space<vmem>>, %arg3: memref<32x128xf32, #tpu.memory_space<vmem>>, %arg4: memref<32x3xf32, #tpu.memory_space<vmem>>, %arg5: memref<1x10000x32xf32, #tpu.memory_space<vmem>>) attributes {dimension_semantics = [#tpu.dimension_semantics<arbitrary>], iteration_bounds = array<i64: 2>, scalar_prefetch = 0 : i64, scratch_operands = 0 : i64, tpu.core_type = #tpu.core_type<tc>, window_params = [{transform_indices = @transform_0, window_bounds = array<i64: 1, 128, 10000>}, {transform_indices = @transform_1, window_bounds = array<i64: 1, 3, 10000>}, {pipeline_mode = #tpu.pipeline_mode<synchronous>, transform_indices = @transform_2, window_bounds = array<i64: 32, 128>}, {pipeline_mode = #tpu.pipeline_mode<synchronous>, transform_indices = @transform_3, window_bounds = array<i64: 32, 3>}, {transform_indices = @transform_4, window_bounds = array<i64: 1, 10000, 32>}]} {
    %get3A = arith.constant 0 : index
    %get3A_0 = arith.constant 0 : index
    %get3A_1 = arith.constant 0 : index
    %get3A_2 = vector.load %arg1[%get3A, %get3A_0, %get3A_1] : memref<1x128x10000xf32, #tpu.memory_space<vmem>>, vector<1x128x10000xf32>
    %get3A_3 = vector.shape_cast %get3A_2 : vector<1x128x10000xf32> to vector<128x10000xf32>
    %get3A_4 = arith.constant 0 : index
    %get3A_5 = arith.constant 0 : index
    %get3A_6 = arith.constant 0 : index
    %get3A_7 = vector.load %arg2[%get3A_4, %get3A_5, %get3A_6] : memref<1x3x10000xf32, #tpu.memory_space<vmem>>, vector<1x3x10000xf32>
    %get3A_8 = vector.shape_cast %get3A_7 : vector<1x3x10000xf32> to vector<3x10000xf32>
    %get3A_9 = arith.constant 0 : index
    %get3A_10 = arith.constant 0 : index
    %get3A_11 = vector.load %arg3[%get3A_9, %get3A_10] : memref<32x128xf32, #tpu.memory_space<vmem>>, vector<32x128xf32>
    %dot_general3A = arith.constant dense<0.000000e+00> : vector<10000x32xf32>
    %dot_general3A_12 = tpu.matmul %get3A_3, %get3A_11, %dot_general3A {dimension_numbers = #tpu.dot_dimension_numbers<[0], [1], [1], [0], [0, 1, 1, 0], [], []>, transpose_lhs_hint = false} : vector<128x10000xf32>, vector<32x128xf32>, vector<10000x32xf32> -> vector<10000x32xf32>
    %get3A_13 = arith.constant 0 : index
    %get3A_14 = arith.constant 0 : index
    %get3A_15 = vector.load %arg4[%get3A_13, %get3A_14] : memref<32x3xf32, #tpu.memory_space<vmem>>, vector<32x3xf32>
    %dot_general3A_16 = arith.constant dense<0.000000e+00> : vector<10000x32xf32>
    %dot_general3A_17 = tpu.matmul %get3A_8, %get3A_15, %dot_general3A_16 {dimension_numbers = #tpu.dot_dimension_numbers<[0], [1], [1], [0], [0, 1, 1, 0], [], []>, transpose_lhs_hint = false} : vector<3x10000xf32>, vector<32x3xf32>, vector<10000x32xf32> -> vector<10000x32xf32>
    %add3A = arith.addf %dot_general3A_12, %dot_general3A_17 : vector<10000x32xf32>
    %swap3A = arith.constant 0 : index
    %swap3A_18 = arith.constant 0 : index
    %swap3A_19 = arith.constant 0 : index
    %swap3A_20 = vector.load %arg5[%swap3A, %swap3A_18, %swap3A_19] : memref<1x10000x32xf32, #tpu.memory_space<vmem>>, vector<1x10000x32xf32>
    %swap3A_21 = vector.shape_cast %swap3A_20 : vector<1x10000x32xf32> to vector<10000x32xf32>
    %swap3A_22 = vector.shape_cast %add3A : vector<10000x32xf32> to vector<1x10000x32xf32>
    tpu.vector_store %arg5[%swap3A, %swap3A_18, %swap3A_19], %swap3A_22 {strides = array<i32>} : memref<1x10000x32xf32, #tpu.memory_space<vmem>>, vector<1x10000x32xf32>,
    return
  }
  func.func @transform_0(%arg0: i32) -> (i32, i32, i32) {
    %c0_i32 = arith.constant 0 : i32
    %c0_i32_0 = arith.constant 0 : i32
    %c0_i32_1 = arith.constant 0 : i32
    return %arg0, %c0_i32, %c0_i32_0 : i32, i32, i32
  }
  func.func @transform_1(%arg0: i32) -> (i32, i32, i32) {
    %c0_i32 = arith.constant 0 : i32
    %c0_i32_0 = arith.constant 0 : i32
    %c0_i32_1 = arith.constant 0 : i32
    return %arg0, %c0_i32, %c0_i32_0 : i32, i32, i32
  }
  func.func @transform_2(%arg0: i32) -> (i32, i32) {
    %c0_i32 = arith.constant 0 : i32
    %c0_i32_0 = arith.constant 0 : i32
    %c0_i32_1 = arith.constant 0 : i32
    return %c0_i32, %c0_i32_0 : i32, i32
  }
  func.func @transform_3(%arg0: i32) -> (i32, i32) {
    %c0_i32 = arith.constant 0 : i32
    %c0_i32_0 = arith.constant 0 : i32
    %c0_i32_1 = arith.constant 0 : i32
    return %c0_i32, %c0_i32_0 : i32, i32
  }
  func.func @transform_4(%arg0: i32) -> (i32, i32, i32) {
    %c0_i32 = arith.constant 0 : i32
    %c0_i32_0 = arith.constant 0 : i32
    %c0_i32_1 = arith.constant 0 : i32
    return %arg0, %c0_i32, %c0_i32_0 : i32, i32, i32
  }
}

module attributes {stable_mosaic.version = 14 : i64} {
  func.func @_head_body(%arg0: i32, %arg1: i32, %arg2: memref<1x8000x128xf32, #tpu.memory_space<vmem>>, %arg3: memref<1x1000x3xf32, #tpu.memory_space<vmem>>, %arg4: memref<32x3xf32, #tpu.memory_space<vmem>>, %arg5: memref<1x32xf32, #tpu.memory_space<vmem>>, %arg6: memref<128x256xf32, #tpu.memory_space<vmem>>, %arg7: memref<1x64xf32, #tpu.memory_space<vmem>>, %arg8: memref<1x1000x64xf32, #tpu.memory_space<vmem>>) attributes {dimension_semantics = [#tpu.dimension_semantics<parallel>, #tpu.dimension_semantics<parallel>], iteration_bounds = array<i64: 1, 10>, scalar_prefetch = 0 : i64, scratch_operands = 0 : i64, tpu.core_type = #tpu.core_type<tc>, window_params = [{transform_indices = @transform_0, window_bounds = array<i64: 1, 8000, 128>}, {transform_indices = @transform_1, window_bounds = array<i64: 1, 1000, 3>}, {pipeline_mode = #tpu.pipeline_mode<synchronous>, transform_indices = @transform_2, window_bounds = array<i64: 32, 3>}, {pipeline_mode = #tpu.pipeline_mode<synchronous>, transform_indices = @transform_3, window_bounds = array<i64: 1, 32>}, {pipeline_mode = #tpu.pipeline_mode<synchronous>, transform_indices = @transform_4, window_bounds = array<i64: 128, 256>}, {pipeline_mode = #tpu.pipeline_mode<synchronous>, transform_indices = @transform_5, window_bounds = array<i64: 1, 64>}, {transform_indices = @transform_6, window_bounds = array<i64: 1, 1000, 64>}]} {
    %get3A = arith.constant 0 : index
    %get3A_0 = arith.constant 0 : index
    %get3A_1 = arith.constant 0 : index
    %get3A_2 = vector.load %arg3[%get3A, %get3A_0, %get3A_1] : memref<1x1000x3xf32, #tpu.memory_space<vmem>>, vector<1x1000x3xf32>
    %get3A_3 = vector.shape_cast %get3A_2 : vector<1x1000x3xf32> to vector<1000x3xf32>
    %get3A_4 = arith.constant 0 : index
    %get3A_5 = arith.constant 0 : index
    %get3A_6 = vector.load %arg4[%get3A_4, %get3A_5] : memref<32x3xf32, #tpu.memory_space<vmem>>, vector<32x3xf32>
    %dot_general3A = arith.constant dense<0.000000e+00> : vector<1000x32xf32>
    %dot_general3A_7 = tpu.matmul %get3A_3, %get3A_6, %dot_general3A {dimension_numbers = #tpu.dot_dimension_numbers<[1], [1], [0], [0], [0, 0, 1, 0], [], []>, transpose_lhs_hint = false} : vector<1000x3xf32>, vector<32x3xf32>, vector<1000x32xf32> -> vector<1000x32xf32>
    %get3A_8 = arith.constant 0 : index
    %get3A_9 = arith.constant 0 : index
    %get3A_10 = vector.load %arg5[%get3A_8, %get3A_9] : memref<1x32xf32, #tpu.memory_space<vmem>>, vector<1x32xf32>
    %sub3A = vector.broadcast %get3A_10 : vector<1x32xf32> to vector<1000x32xf32>
    %sub3A_11 = arith.subf %dot_general3A_7, %sub3A : vector<1000x32xf32>
    %concatenate3A = tpu.concatenate %sub3A_11, %sub3A_11, %sub3A_11, %sub3A_11 in 1 : vector<1000x32xf32>, vector<1000x32xf32>, vector<1000x32xf32>, vector<1000x32xf32> -> vector<1000x128xf32>
    %get3A_12 = arith.constant 0 : index
    %get3A_13 = arith.constant 0 : index
    %get3A_14 = arith.constant 0 : index
    %get3A_15 = vector.load %arg2[%get3A_12, %get3A_13, %get3A_14] : memref<1x8000x128xf32, #tpu.memory_space<vmem>>, vector<1x8000x128xf32>
    %get3A_16 = vector.shape_cast %get3A_15 : vector<1x8000x128xf32> to vector<8000x128xf32>
    %reshape3A = vector.shape_cast %get3A_16 : vector<8000x128xf32> to vector<1000x8x128xf32>
    %broadcast_in_dim3A = vector.shape_cast %concatenate3A : vector<1000x128xf32> to vector<1000x1x128xf32>
    %sub3A_17 = vector.broadcast %broadcast_in_dim3A : vector<1000x1x128xf32> to vector<1000x8x128xf32>
    %sub3A_18 = arith.subf %reshape3A, %sub3A_17 : vector<1000x8x128xf32>
    %max3A = arith.constant 0.000000e+00 : f32
    %max3A_19 = vector.broadcast %max3A : f32 to vector<1000x8x128xf32>
    %max3A_20 = arith.maximumf %sub3A_18, %max3A_19 : vector<1000x8x128xf32>
    %reshape3A_21 = vector.shape_cast %max3A_20 : vector<1000x8x128xf32> to vector<8000x128xf32>
    %get3A_22 = arith.constant 0 : index
    %get3A_23 = arith.constant 0 : index
    %get3A_24 = vector.load %arg6[%get3A_22, %get3A_23] : memref<128x256xf32, #tpu.memory_space<vmem>>, vector<128x256xf32>
    %dot_general3A_25 = arith.constant dense<0.000000e+00> : vector<8000x256xf32>
    %dot_general3A_26 = tpu.matmul %reshape3A_21, %get3A_24, %dot_general3A_25 {dimension_numbers = #tpu.dot_dimension_numbers<[1], [0], [0], [1], [0, 0, 1, 1], [], []>, transpose_lhs_hint = false} : vector<8000x128xf32>, vector<128x256xf32>, vector<8000x256xf32> -> vector<8000x256xf32>
    %reshape3A_27 = vector.shape_cast %dot_general3A_26 : vector<8000x256xf32> to vector<1000x8x256xf32>
    %reduce_max3A = arith.constant dense<0xFF800000> : vector<1000x256xf32>
    %reduce_max3A_28 = vector.multi_reduction <maximumf>, %reshape3A_27, %reduce_max3A [1] : vector<1000x8x256xf32> to vector<1000x256xf32>
    %slice3A = vector.extract_strided_slice %reduce_max3A_28 {offsets = [0, 0], sizes = [1000, 64], strides = [1, 1]} : vector<1000x256xf32> to vector<1000x64xf32>
    %slice3A_29 = vector.extract_strided_slice %reduce_max3A_28 {offsets = [0, 64], sizes = [1000, 64], strides = [1, 1]} : vector<1000x256xf32> to vector<1000x64xf32>
    %max3A_30 = arith.maximumf %slice3A, %slice3A_29 : vector<1000x64xf32>
    %slice3A_31 = vector.extract_strided_slice %reduce_max3A_28 {offsets = [0, 128], sizes = [1000, 64], strides = [1, 1]} : vector<1000x256xf32> to vector<1000x64xf32>
    %max3A_32 = arith.maximumf %max3A_30, %slice3A_31 : vector<1000x64xf32>
    %slice3A_33 = vector.extract_strided_slice %reduce_max3A_28 {offsets = [0, 192], sizes = [1000, 64], strides = [1, 1]} : vector<1000x256xf32> to vector<1000x64xf32>
    %max3A_34 = arith.maximumf %max3A_32, %slice3A_33 : vector<1000x64xf32>
    %get3A_35 = arith.constant 0 : index
    %get3A_36 = arith.constant 0 : index
    %get3A_37 = vector.load %arg7[%get3A_35, %get3A_36] : memref<1x64xf32, #tpu.memory_space<vmem>>, vector<1x64xf32>
    %add3A = vector.broadcast %get3A_37 : vector<1x64xf32> to vector<1000x64xf32>
    %add3A_38 = arith.addf %max3A_34, %add3A : vector<1000x64xf32>
    %swap3A = arith.constant 0 : index
    %swap3A_39 = arith.constant 0 : index
    %swap3A_40 = arith.constant 0 : index
    %swap3A_41 = vector.load %arg8[%swap3A, %swap3A_39, %swap3A_40] : memref<1x1000x64xf32, #tpu.memory_space<vmem>>, vector<1x1000x64xf32>
    %swap3A_42 = vector.shape_cast %swap3A_41 : vector<1x1000x64xf32> to vector<1000x64xf32>
    %swap3A_43 = vector.shape_cast %add3A_38 : vector<1000x64xf32> to vector<1x1000x64xf32>
    tpu.vector_store %arg8[%swap3A, %swap3A_39, %swap3A_40], %swap3A_43 {strides = array<i32>} : memref<1x1000x64xf32, #tpu.memory_space<vmem>>, vector<1x1000x64xf32>,
    return
  }
  func.func @transform_0(%arg0: i32, %arg1: i32) -> (i32, i32, i32) {
    %c0_i32 = arith.constant 0 : i32
    %c0_i32_0 = arith.constant 0 : i32
    return %arg0, %arg1, %c0_i32 : i32, i32, i32
  }
  func.func @transform_1(%arg0: i32, %arg1: i32) -> (i32, i32, i32) {
    %c0_i32 = arith.constant 0 : i32
    %c0_i32_0 = arith.constant 0 : i32
    return %arg0, %arg1, %c0_i32 : i32, i32, i32
  }
  func.func @transform_2(%arg0: i32, %arg1: i32) -> (i32, i32) {
    %c0_i32 = arith.constant 0 : i32
    %c0_i32_0 = arith.constant 0 : i32
    %c0_i32_1 = arith.constant 0 : i32
    return %c0_i32, %c0_i32_0 : i32, i32
  }
  func.func @transform_3(%arg0: i32, %arg1: i32) -> (i32, i32) {
    %c0_i32 = arith.constant 0 : i32
    %c0_i32_0 = arith.constant 0 : i32
    %c0_i32_1 = arith.constant 0 : i32
    return %c0_i32, %c0_i32_0 : i32, i32
  }
  func.func @transform_4(%arg0: i32, %arg1: i32) -> (i32, i32) {
    %c0_i32 = arith.constant 0 : i32
    %c0_i32_0 = arith.constant 0 : i32
    %c0_i32_1 = arith.constant 0 : i32
    return %c0_i32, %c0_i32_0 : i32, i32
  }
  func.func @transform_5(%arg0: i32, %arg1: i32) -> (i32, i32) {
    %c0_i32 = arith.constant 0 : i32
    %c0_i32_0 = arith.constant 0 : i32
    %c0_i32_1 = arith.constant 0 : i32
    return %c0_i32, %c0_i32_0 : i32, i32
  }
  func.func @transform_6(%arg0: i32, %arg1: i32) -> (i32, i32, i32) {
    %c0_i32 = arith.constant 0 : i32
    %c0_i32_0 = arith.constant 0 : i32
    return %arg0, %arg1, %c0_i32 : i32, i32, i32
  }
}

</mosaic_0001>

<sc_bundles>
// kernel: kernel.10.cloned.1.call-start
scs
__scs_entry_jumppad:
0x0: {  	(pc) =	sbr.rel $0x88, $3  }
0x1: {  	(tag) =	ssettag $0x0;
	lr =	simm.s32 $0x1  }
0x2: {  	[smem:$0x3F99] =	sst lr;
	_ =	strace $0xD0000000  }
0x3: {  	_ = 	snop  }
0x4: {  	_ = 	snop  }
0x5: {  	_ = 	snop  }
0x6: {  	_ = 	snop  }
0x7: {  	_ = 	snop  }
__scs_overlays_trampoline_lowered:
0x8: {  	[smem:$0x3FA8] =	sst s0  }
0x9: {  	[smem:$0x3FA9] =	sst s1  }
0xa: {  	[smem:$0x3FAA] =	sst s2  }
0xb: {  	[smem:$0x3FAB] =	sst s3  }
0xc: {  	[smem:$0x3FAC] =	sst s4  }
0xd: {  	[smem:$0x3FAD] =	sst s5  }
0xe: {  	[smem:$0x3FAE] =	sst s6  }
0xf: {  	[smem:$0x3FAF] =	sst s7  }
0x10: {  	[smem:$0x3FB0] =	sst s8  }
0x11: {  	[smem:$0x3FB1] =	sst s9;
	s0 =	simm.s32 @!p0 $0x0  }
0x12: {  	s1 =	sld [smem:$0x3F97];
	s0 =	simm.s32 @p0 $0x1  }
0x13: {  	[smem:$0x3FB2] =	sst s0;
	s0 =	simm.s32 @!p1 $0x0  }
0x14: {  	s2 =	sld [smem:$0x3F96];
	s0 =	simm.s32 @p1 $0x1  }
0x15: {  	[smem:$0x3FB3] =	sst s0;
	s0 =	simm.s32 @!p2 $0x0  }
0x16: {  	s3 =	sld [smem:$0x3FDB];
	s0 =	simm.s32 @p2 $0x1  }
0x17: {  	s4 =	simm.s32 $0x1BF5;
	[smem:$0x3FB5] =	sst s0  }
0x18: {  	s0 =	sld [smem:$0x3F98];
	_ =	swait.ge [sflag:s4], $0x0  }
0x19: {  	s7 =	sld [smem:$0x3F99]  }
0x1a: {  	s8 =	sadd.s32 $0xFFFFE003, lr  }
0x1b: {  	s9 =	sadd.s32 $0xFFFFFEF7, lr;
	s5 =	simm.s32 $0xFFFFFFFF;
	p2 =	slt.u32 s8, $0xFFFFF086  }
0x1c: {  	p1 =	slt.u32 s9, $0xF7A;
	s5 =	simm.s32 @!p2 $0x0  }
0x1d: {  	s5 =	simm.s32 @p1 $0x1;
	p0 =	seq.s32 s7, s2  }
0x1e: {  	s7 =	smul.u32 @!p0 $0xF7A, s2;
	p2 =	seq.s32 @!p0 s5, $0x0  }
0x1f: {  	s9 =	smul.u32 $0xF7A, s1;
	s8 =	simm.s32 @!p0 $0x1BF5;
	p2 =	por !p2, p0  }
0x20: {  	[sflag:s8] =	ssyncset.s32 @!p0 $0xFFFFF086;
	s6 =	sadd.s32 @!p0 s3, s7;
	s7 =	simm.s32 @!p0 $0x108  }
0x21: {  	s3 =	sadd.s32 s3, s9;
	s6 =	sadd.s32 @!p0 $0x88, s6;
	s7 =	simm.s32 @p2 $0x1082  }
0x22: {  	[simem:s7], [sflag:s8] =	dma.local @!p0 [hbm:s6], $0xF7A  }
0x23: {  	s9 =	sor.u32 $0xD0000000, s2;
	s6 =	simm.s32 $0x108;
	_ =	swait.ge @!p0 [sflag:s8], $0x0  }
0x24: {  	s3 =	sadd.s32 $0x88, s3;
	s6 =	simm.s32 @!p1 $0x1082;
	[sflag:s4] =	ssyncset.s32 $0xFFFFF086  }
0x25: {  	[simem:s6], [sflag:s4] =	dma.local [hbm:s3], $0xF7A  }
0x26: {  	[smem:$0x3F99] =	sst s1;
	(tag) =	ssettag s2;
	_ =	strace s9  }
0x27: {  	s1 =	sld [smem:$0x3FA9]  }
0x28: {  	s2 =	sld [smem:$0x3FAA]  }
0x29: {  	s4 =	sld [smem:$0x3FAC]  }
0x2a: {  	p0 =	seq.s32 s5, $0x0;
	s5 =	sld [smem:$0x3FAD]  }
0x2b: {  	s6 =	sld [smem:$0x3FAE]  }
0x2c: {  	s7 =	sld [smem:$0x3FAF]  }
0x2d: {  	s3 =	simm.s32 $0x108;
	s8 =	sld [smem:$0x3FB0]  }
0x2e: {  	s3 =	simm.s32 @!p0 $0x1082;
	s9 =	sld [smem:$0x3FB1]  }
0x2f: {  	lr =	sadd.s32 s0, s3;
	s0 =	sld [smem:$0x3FA8]  }
0x30: {  	s3 =	sld [smem:$0x3FAB]  }
0x31: {  	[smem:$0x3FB4] =	sst s10  }
0x32: {  	s10 =	sld [smem:$0x3FB2];
	_ =	sdelay $0x3  }
0x33: {  	p0 =	seq.s32 s10, $0x1;
	s10 =	sld [smem:$0x3FB4];
	_ =	sdelay $0x3  }
0x34: {  	[smem:$0x3FB4] =	sst s10  }
0x35: {  	s10 =	sld [smem:$0x3FB3];
	_ =	sdelay $0x3  }
0x36: {  	p1 =	seq.s32 s10, $0x1;
	s10 =	sld [smem:$0x3FB4];
	_ =	sdelay $0x3  }
0x37: {  	[smem:$0x3FB4] =	sst s10  }
0x38: {  	s10 =	sld [smem:$0x3FB5]  }
0x39: {  	_ = 	snop;
	(pc) =	sbr.ind lr, $3  }
0x3a: {  	_ = 	snop  }
0x3b: {  	_ = 	snop  }
0x3c: {  	p2 =	seq.s32 s10, $0x1;
	s10 =	sld [smem:$0x3FB4]  }
0x3d: {  	_ =	shalt  }
0x3e: {  	_ =	shalt  }
0x3f: {  	_ =	shalt  }
0x40: {  	_ =	shalt  }
0x41: {  	_ =	shalt  }
0x42: {  	_ =	shalt  }
0x43: {  	_ =	shalt  }
0x44: {  	_ =	shalt  }
0x45: {  	_ =	shalt  }
0x46: {  	_ =	shalt  }
0x47: {  	_ =	shalt  }
0x48: {  	_ =	shalt  }
0x49: {  	_ =	shalt  }
0x4a: {  	_ =	shalt  }
0x4b: {  	_ =	shalt  }
0x4c: {  	_ =	shalt  }
0x4d: {  	_ =	shalt  }
0x4e: {  	_ =	shalt  }
0x4f: {  	_ =	shalt  }
0x50: {  	_ =	shalt  }
0x51: {  	_ =	shalt  }
0x52: {  	_ =	shalt  }
0x53: {  	_ =	shalt  }
0x54: {  	_ =	shalt  }
0x55: {  	_ =	shalt  }
0x56: {  	_ =	shalt  }
0x57: {  	_ =	shalt  }
0x58: {  	_ =	shalt  }
0x59: {  	_ =	shalt  }
0x5a: {  	_ =	shalt  }
0x5b: {  	_ =	shalt  }
0x5c: {  	_ =	shalt  }
0x5d: {  	_ =	shalt  }
0x5e: {  	_ =	shalt  }
0x5f: {  	_ =	shalt  }
0x60: {  	_ =	shalt  }
0x61: {  	_ =	shalt  }
0x62: {  	_ =	shalt  }
0x63: {  	_ =	shalt  }
0x64: {  	_ =	shalt  }
0x65: {  	_ =	shalt  }
0x66: {  	_ =	shalt  }
0x67: {  	_ =	shalt  }
0x68: {  	_ =	shalt  }
0x69: {  	_ =	shalt  }
0x6a: {  	_ =	shalt  }
0x6b: {  	_ =	shalt  }
0x6c: {  	_ =	shalt  }
0x6d: {  	_ =	shalt  }
0x6e: {  	_ =	shalt  }
0x6f: {  	_ =	shalt  }
0x70: {  	_ =	shalt  }
0x71: {  	_ =	shalt  }
0x72: {  	_ =	shalt  }
0x73: {  	_ =	shalt  }
0x74: {  	_ =	shalt  }
0x75: {  	_ =	shalt  }
0x76: {  	_ =	shalt  }
0x77: {  	_ =	shalt  }
0x78: {  	_ =	shalt  }
0x79: {  	_ =	shalt  }
0x7a: {  	_ =	shalt  }
0x7b: {  	_ =	shalt  }
0x7c: {  	_ =	shalt  }
0x7d: {  	_ =	shalt  }
0x7e: {  	_ =	shalt  }
0x7f: {  	_ =	shalt  }
0x80: {  	_ =	shalt  }
0x81: {  	_ =	shalt  }
0x82: {  	_ =	shalt  }
0x83: {  	_ =	shalt  }
0x84: {  	_ =	shalt  }
0x85: {  	_ =	shalt  }
0x86: {  	_ =	shalt  }
0x87: {  	_ =	shalt  }
.Lfunc_end0:
.L_simem_size_0:
called_computation.1_lowered:
.L_overlay_start_0:
0x88: {  	s2 =	sld [smem:$0x3FD9]  }
0x89: {  	s3 =	sld [smem:$0x3FFE];
	_ =	sdelay $0x1  }
0x8a: {  	s1 =	srdreg.scid  }
0x8b: {  	s0 =	sand.u32 $0x1, s1  }
0x8c: {  	s17 =	sshll.u32 s0, $0xA;
	s2 =	sadd.s32 s3, s2  }
0x8d: {  	s2 =	sadd.s32 s2, s17  }
0x8e: {  	[smem:$0x3FC0] =	sst s2  }
0x8f: {  	_ = 	snop  }
0x90: {  	s2 =	sld [smem:$0x3FD0];
	(tm) =	ssettm $0x1  }
0x91: {  	s18 =	sld [smem:$0x3FFB];
	_ =	sdelay $0x3  }
0x92: {  	_ =	strace s18  }
0x93: {  	s3 =	sld [smem:$0x3FFC];
	_ =	sdelay $0x3  }
0x94: {  	_ =	strace s3  }
0x95: {  	s3 =	sld [smem:$0x3FFD];
	_ =	sdelay $0x3  }
0x96: {  	_ =	strace s3  }
0x97: {  	_ =	strace $0x8FFFFFFF  }
0x98: {  	s19 =	sld [smem:$0x3FDB];
	_ =	sdelay $0x1  }
0x99: {  	s4 =	simm.s32 $_scs_section_size  }
0x9a: {  	s5 =	simm.s32 $_size__tile_overlayer_lowered;
	s6 =	simm.s32 $_tile_overlayer_lowered  }
0x9b: {  	s22 =	simm.s32 $0x1BFF;
	s21 =	sshll.u32 s6, $0x1;
	s3 =	sadd.s32 s4, s19  }
0x9c: {  	s7 =	simm.s32 $0x0;
	s20 =	sshll.u32 s5, $0x1;
	s5 =	sadd.s32 s21, s3  }
0x9d: {  	[timem:s7], [sflag:s22] =	dma.local [hbm:s5], s20  }
0x9e: {  	_ =	swait.ge [sflag:s22], s20  }
0x9f: {  	s4 =	ssub.s32 $0x0, s20;
	[sflag:s22] =	ssyncset.done $0x0  }
0xa0: {  	[sflag:s22] =	ssyncadd.s32 s4;
	_ =	sdelay $0x1  }
0xa1: {  	s23 =	simm.s32 $0x1B8B  }
0xa2: {  	_ =	swait.ge [sflag:s23], $0x1  }
0xa3: {  	[sflag:s23] =	ssyncset.done $0x0  }
0xa4: {  	s25 =	simm.s32 $0x1B8E;
	s24 =	sld [smem:$0x3FFE];
	[sflag:s23] =	ssyncadd.s32 $0xFFFFFFFF  }
0xa5: {  	s26 =	simm.s32 $execute0_lowered;
	[smem:$0x3FD2] =	sst s25  }
0xa6: {  	s5 =	sshll.u32 s26, $0x1;
	_ =	strace $0x80000046;
	[dreg:$0x1] =	wrdreg $0xFFFFFFFF  }
0xa7: {  	s28 =	simm.s32 $_size_execute0_lowered;
	s3 =	sadd.s32 s3, s5;
	[dreg:$0x0] =	wrdreg $0x0  }
0xa8: {  	s5 =	sshll.u32 s28, $0x1;
	[dreg:$0x2] =	wrdreg s3  }
0xa9: {  	[dreg:$0x3] =	wrdreg s5  }
0xaa: {  	[dreg:$0x4] =	wrdreg $0xC0  }
0xab: {  	_ =	task [dreg:s7], $0x5FFFF  }
0xac: {  	[dreg:$0x1] =	wrdreg $0xFFFFFFFF  }
0xad: {  	[dreg:$0x0] =	wrdreg $0x60  }
0xae: {  	[dreg:$0x2] =	wrdreg s2  }
0xaf: {  	[dreg:$0x3] =	wrdreg s24  }
0xb0: {  	[dreg:$0x4] =	wrdreg $0xA  }
0xb1: {  	_ =	task.clear_ibuf [dreg:s7], $0x5FFFF;
	_ =	strace $0x90000046  }
0xb2: {  	s29 =	simm.s32 $0xA;
	_ =	strace $0x80000048  }
0xb3: {  	_ =	swait.ge [sflag:s29], $0x1  }
0xb4: {  	[sflag:s29] =	ssyncadd.s32 $0xFFFFFFFF  }
0xb5: {  	_ =	strace $0x90000048  }
0xb6: {  	_ =	sfence  }
0xb7: {  	s30 =	sld [smem:$0x0];
	_ =	sdelay $0x2  }
0xb8: {  	s31 =	sshll.u32 s1, $0xD;
	s1 =	sshrl.u32 s1, $0x2  }
0xb9: {  	s3 =	sand.u32 $0x4000, s31;
	s1 =	sadd.s32 s1, s30  }
0xba: {  	s0 =	sor.u32 s3, s0;
	s1 =	sshll.u32 s1, $0x11  }
0xbb: {  	s0 =	sor.u32 s1, s0  }
0xbc: {  	s0 =	sadd.s32 $0x8F2B, s0  }
0xbd: {  	[sflag:s0] =	ssyncadd.remote.s32 $0x1  }
0xbe: {  	_ =	sfence.sel $0xFFFF  }
0xbf: {  	[dreg:$0x0] =	wrdreg $0xFFFFFFFF;
	(pc) =	sbr.abs _section_cstart, $3  }
0xc0: {  	[dreg:$0x1] =	wrdreg $0xFFFFFFFF  }
0xc1: {  	_ =	task.clear_ibuf [dreg:s7], $0x2FFFF;
	_ =	strace $0x9FFFFFFF  }
0xc2: {  	(tm) =	ssettm $0x7FFFFFFF  }
0xc3: {  	_ =	shalt  }
tec
execute0_lowered:
.L_overlay_start_1:
0x0: {  	(tag) =	ssettag $0x1  }
0x1: {  	s2 =	rddreg [dreg:$0x0]  }
0x2: {  	s4 =	rddreg [dreg:$0x1]  }
0x3: {  	s0 =	rddreg [dreg:$0x2];
	s1 =	stileid.u32  }
0x4: {  	s5 =	srdreg.scid;
	s3 =	simm.s32 $0x0;
	s16 =	smul.u32 $0x13880, s1  }
0x5: {  	s21 =	simm.s32 $0x3;
	s22 =	simm.s32 $0x2;
	s18 =	smul.u32 $0x4E20, s1  }
0x6: {  	s23 =	simm.s32 $0x4;
	s13 =	sand.u32 $0x1, s5;
	s20 =	smul.u32 $0x9C4, s1  }
0x7: {  	s24 =	simm.s32 $0x0;
	s30 =	sshll.u32 s1, $0x1;
	s17 =	smul.u32 $0x9C40, s13  }
0x8: {  	[smem:$0x7FF] =	sst s3;
	s14 =	sadd.s32 $0x1800, s4;
	s19 =	smul.u32 $0x2710, s13  }
0x9: {  	s5 =	sor.u32 s13, s30;
	s6 =	ssub.s32 $0x2, s13;
	s13 =	smul.u32 $0x4E2, s13  }
0xa: {  	s15 =	sadd.s32 $0xB600, s4;
	_ =	strace $0x80000047;
	s7 =	smul.u32 $0x4E2, s5  }
0xb: {  	s8 =	sshrl.u32 s6, $0x1;
	s9 =	smul.u32 $0x9C40, s5;
	s16 =	sadd.s32 s16, s15  }
0xc: {  	s31 =	ssub.s32 s6, s8;
	s18 =	sadd.s32 s19, s18;
	s16 =	sadd.s32 s17, s16  }
0xd: {  	s17 =	simm.s32 $0x3E8;
	s19 =	simm.s32 $0x84D0;
	s4 =	sadd.s32 s14, s7  }
0xe: {  	s5 =	smax.u32 s31, $0x1;
	s7 =	sadd.s32 s15, s9;
	s14 =	sadd.s32 s20, s14  }
0xf: {  	s18 =	sshll.u32 s18, $0x2;
	s20 =	simm.s32 $0x1;
	s6 =	sadd.s32 $0x7D, s4  }
0x10: {  	s8 =	sadd.s32 $0xFA, s4;
	s9 =	sadd.s32 $0xFA0, s7;
	s10 =	sadd.s32 $0x465, s4  }
0x11: {  	s11 =	sadd.s32 $0x7D00, s7;
	s12 =	sadd.s32 $0x8CA0, s7;
	s14 =	sadd.s32 s13, s14  }
0x12: {  	s15 =	sadd.s32 s15, s18;
	s13 =	sadd.s32 $0x1F40, s16;
	s16 =	simm.s32 $0x5  }
0x13: {  	s18 =	simm.s32 $0x7D0;
	s14 =	sadd.s32 $0x1F4, s14;
	s15 =	sadd.s32 $0x2EE0, s15  }
.LBB2_1:
0x14: {  	[tilespmem:s3], [sflag:$0x5] =	stream.linear.gather [hbm4b:s4+s3], $0x3E8, $0x38;
	[tilespmem:$0x101D0] =	vst v63  }
0x15: {  	_ =	swait.ge [sflag:s16], $0x3E8  }
0x16: {  	[sflag:s16] =	ssyncset.done $0x0  }
0x17: {  	[sflag:s16] =	ssyncadd.s32 $0xFFFFFC18  }
0x18: {  	[tilespmem:s18], [sflag:$0x1] =	stream.indirect.gather [hbm4b:s2+s17], $0x20, s3, s17, $0xb8;
	[tilespmem:$0x101D0] =	vst v63  }
0x19: {  	_ = 	snop  }
0x1a: {  	[tilespmem:s17], [sflag:$0x5] =	stream.linear.gather [hbm4b:s6+s3], $0x3E8, $0x38;
	[tilespmem:$0x101D0] =	vst v63  }
0x1b: {  	_ =	swait.ge [sflag:s16], $0x3E8  }
0x1c: {  	[sflag:s16] =	ssyncset.done $0x0  }
0x1d: {  	[sflag:s16] =	ssyncadd.s32 $0xFFFFFC18  }
0x1e: {  	[tilespmem:s19], [sflag:$0x2] =	stream.indirect.gather [hbm4b:s2+s17], $0x20, s17, s17, $0xb8;
	[tilespmem:$0x101D0] =	vst v63  }
0x1f: {  	_ =	swait.ge [sflag:s20], $0x7D00  }
0x20: {  	[sflag:s20] =	ssyncset.done $0x0  }
0x21: {  	[sflag:s20] =	ssyncadd.s32 $0xFFFF8300  }
0x22: {  	[hbm4b:s7+s3] =	stream.linear.scatter [tilespmem:s18], [sflag:$0x3], $0x7D00, $0x38;
	[tilespmem:$0x101D0] =	vst v63  }
0x23: {  	_ = 	snop  }
0x24: {  	[tilespmem:s3], [sflag:$0x5] =	stream.linear.gather [hbm4b:s8+s3], $0x3E8, $0x38;
	[tilespmem:$0x101D0] =	vst v63  }
0x25: {  	_ =	swait.ge [sflag:s16], $0x3E8  }
0x26: {  	[sflag:s16] =	ssyncset.done $0x0  }
0x27: {  	[sflag:s16] =	ssyncadd.s32 $0xFFFFFC18  }
0x28: {  	_ =	swait.ge [sflag:s21], $0x7D00  }
0x29: {  	[sflag:s21] =	ssyncset.done $0x0  }
0x2a: {  	[sflag:s21] =	ssyncadd.s32 $0xFFFF8300  }
0x2b: {  	[tilespmem:s18], [sflag:$0x1] =	stream.indirect.gather [hbm4b:s2+s17], $0x20, s3, s17, $0xb8;
	[tilespmem:$0x101D0] =	vst v63  }
0x2c: {  	_ =	swait.ge [sflag:s22], $0x7D00  }
0x2d: {  	[sflag:s22] =	ssyncset.done $0x0  }
0x2e: {  	[sflag:s22] =	ssyncadd.s32 $0xFFFF8300  }
0x2f: {  	[hbm4b:s9+s3] =	stream.linear.scatter [tilespmem:s19], [sflag:$0x4], $0x7D00, $0x38;
	[tilespmem:$0x101D0] =	vst v63  }
0x30: {  	s25 =	sadd.s32 $0xFFFFFF83, s14  }
0x31: {  	[tilespmem:s17], [sflag:$0x5] =	stream.linear.gather [hbm4b:s25+s3], $0x3E8, $0x38;
	[tilespmem:$0x101D0] =	vst v63  }
0x32: {  	_ =	swait.ge [sflag:s16], $0x3E8  }
0x33: {  	[sflag:s16] =	ssyncset.done $0x0  }
0x34: {  	[sflag:s16] =	ssyncadd.s32 $0xFFFFFC18  }
0x35: {  	_ =	swait.ge [sflag:s23], $0x7D00  }
0x36: {  	[sflag:s23] =	ssyncset.done $0x0  }
0x37: {  	[sflag:s23] =	ssyncadd.s32 $0xFFFF8300  }
0x38: {  	[tilespmem:s19], [sflag:$0x2] =	stream.indirect.gather [hbm4b:s2+s17], $0x20, s17, s17, $0xb8;
	[tilespmem:$0x101D0] =	vst v63  }
0x39: {  	_ =	swait.ge [sflag:s20], $0x7D00  }
0x3a: {  	[sflag:s20] =	ssyncset.done $0x0  }
0x3b: {  	s31 =	sadd.s32 $0x0, s13;
	[sflag:s20] =	ssyncadd.s32 $0xFFFF8300  }
0x3c: {  	[hbm4b:s31+s3] =	stream.linear.scatter [tilespmem:s18], [sflag:$0x3], $0x7D00, $0x38;
	[tilespmem:$0x101D0] =	vst v63  }
0x3d: {  	_ = 	snop  }
0x3e: {  	[tilespmem:s3], [sflag:$0x5] =	stream.linear.gather [hbm4b:s14+s3], $0x3E8, $0x38;
	[tilespmem:$0x101D0] =	vst v63  }
0x3f: {  	_ =	swait.ge [sflag:s16], $0x3E8  }
0x40: {  	[sflag:s16] =	ssyncset.done $0x0  }
0x41: {  	[sflag:s16] =	ssyncadd.s32 $0xFFFFFC18  }
0x42: {  	_ =	swait.ge [sflag:s21], $0x7D00  }
0x43: {  	[sflag:s21] =	ssyncset.done $0x0  }
0x44: {  	[sflag:s21] =	ssyncadd.s32 $0xFFFF8300  }
0x45: {  	[tilespmem:s18], [sflag:$0x1] =	stream.indirect.gather [hbm4b:s2+s17], $0x20, s3, s17, $0xb8;
	[tilespmem:$0x101D0] =	vst v63  }
0x46: {  	_ =	swait.ge [sflag:s22], $0x7D00  }
0x47: {  	s28 =	sadd.s32 $0x0, s15;
	[sflag:s22] =	ssyncset.done $0x0  }
0x48: {  	s26 =	sadd.s32 $0xFA, s14;
	s25 =	simm.s32 $0x1F40;
	[sflag:s22] =	ssyncadd.s32 $0xFFFF8300  }
.LBB2_2:
0x49: {  	[hbm4b:s28+s3] =	stream.linear.scatter [tilespmem:s19], [sflag:$0x4], $0x7D00, $0x38;
	[tilespmem:$0x101D0] =	vst v63  }
0x4a: {  	s28 =	smov.u32 s25  }
0x4b: {  	s29 =	sadd.s32 $0xFFFFFF83, s26;
	p0 =	sne.s32 s25, $0x3E80;
	s25 =	sadd.s32 $0x1F40, s25  }
0x4c: {  	[tilespmem:s17], [sflag:$0x5] =	stream.linear.gather [hbm4b:s29+s3], $0x3E8, $0x38;
	[tilespmem:$0x101D0] =	vst v63  }
0x4d: {  	_ =	swait.ge [sflag:s16], $0x3E8  }
0x4e: {  	[sflag:s16] =	ssyncset.done $0x0  }
0x4f: {  	[sflag:s16] =	ssyncadd.s32 $0xFFFFFC18  }
0x50: {  	_ =	swait.ge [sflag:s23], $0x7D00  }
0x51: {  	[sflag:s23] =	ssyncset.done $0x0  }
0x52: {  	[sflag:s23] =	ssyncadd.s32 $0xFFFF8300  }
0x53: {  	[tilespmem:s19], [sflag:$0x2] =	stream.indirect.gather [hbm4b:s2+s17], $0x20, s17, s17, $0xb8;
	[tilespmem:$0x101D0] =	vst v63  }
0x54: {  	_ =	swait.ge [sflag:s20], $0x7D00  }
0x55: {  	[sflag:s20] =	ssyncset.done $0x0  }
0x56: {  	s29 =	sadd.s32 s28, s13;
	[sflag:s20] =	ssyncadd.s32 $0xFFFF8300  }
0x57: {  	[hbm4b:s29+s3] =	stream.linear.scatter [tilespmem:s18], [sflag:$0x3], $0x7D00, $0x38;
	[tilespmem:$0x101D0] =	vst v63  }
0x58: {  	_ = 	snop  }
0x59: {  	[tilespmem:s3], [sflag:$0x5] =	stream.linear.gather [hbm4b:s26+s3], $0x3E8, $0x38;
	[tilespmem:$0x101D0] =	vst v63  }
0x5a: {  	_ =	swait.ge [sflag:s16], $0x3E8  }
0x5b: {  	[sflag:s16] =	ssyncset.done $0x0  }
0x5c: {  	[sflag:s16] =	ssyncadd.s32 $0xFFFFFC18  }
0x5d: {  	_ =	swait.ge [sflag:s21], $0x7D00  }
0x5e: {  	[sflag:s21] =	ssyncset.done $0x0  }
.Ltmp0:
0x5f: {  	[sflag:s21] =	ssyncadd.s32 $0xFFFF8300;
	(pc) =	sbr.rel @p0 .LBB2_2-.Ltmp0, $4  }
0x60: {  	[tilespmem:s18], [sflag:$0x1] =	stream.indirect.gather [hbm4b:s2+s17], $0x20, s3, s17, $0xb8;
	[tilespmem:$0x101D0] =	vst v63  }
0x61: {  	_ =	swait.ge [sflag:s22], $0x7D00  }
0x62: {  	[sflag:s22] =	ssyncset.done $0x0  }
0x63: {  	s28 =	sadd.s32 s28, s15;
	s26 =	sadd.s32 $0xFA, s26;
	[sflag:s22] =	ssyncadd.s32 $0xFFFF8300  }
0x64: {  	[hbm4b:s28+s3] =	stream.linear.scatter [tilespmem:s19], [sflag:$0x4], $0x7D00, $0x38;
	[tilespmem:$0x101D0] =	vst v63  }
0x65: {  	_ = 	snop  }
0x66: {  	[tilespmem:s17], [sflag:$0x5] =	stream.linear.gather [hbm4b:s10+s3], $0x3E8, $0x38;
	[tilespmem:$0x101D0] =	vst v63  }
0x67: {  	_ =	swait.ge [sflag:s16], $0x3E8  }
0x68: {  	[sflag:s16] =	ssyncset.done $0x0  }
0x69: {  	[sflag:s16] =	ssyncadd.s32 $0xFFFFFC18  }
0x6a: {  	_ =	swait.ge [sflag:s23], $0x7D00  }
0x6b: {  	[sflag:s23] =	ssyncset.done $0x0  }
0x6c: {  	[sflag:s23] =	ssyncadd.s32 $0xFFFF8300  }
0x6d: {  	[tilespmem:s19], [sflag:$0x2] =	stream.indirect.gather [hbm4b:s2+s17], $0x20, s17, s17, $0xb8;
	[tilespmem:$0x101D0] =	vst v63  }
0x6e: {  	_ =	swait.ge [sflag:s20], $0x7D00  }
0x6f: {  	[sflag:s20] =	ssyncset.done $0x0  }
0x70: {  	[sflag:s20] =	ssyncadd.s32 $0xFFFF8300  }
0x71: {  	[hbm4b:s11+s3] =	stream.linear.scatter [tilespmem:s18], [sflag:$0x3], $0x7D00, $0x38;
	[tilespmem:$0x101D0] =	vst v63  }
0x72: {  	_ =	swait.ge [sflag:s22], $0x7D00  }
0x73: {  	[sflag:s22] =	ssyncset.done $0x0  }
0x74: {  	s24 =	sadd.s32 $0x1, s24;
	[sflag:s22] =	ssyncadd.s32 $0xFFFF8300  }
0x75: {  	[hbm4b:s12+s3] =	stream.linear.scatter [tilespmem:s19], [sflag:$0x4], $0x7D00, $0x38;
	[tilespmem:$0x101D0] =	vst v63  }
0x76: {  	p0 =	sne.s32 s24, s5;
	_ =	swait.ge [sflag:s21], $0x7D00  }
.Ltmp1:
0x77: {  	[sflag:s21] =	ssyncset.done $0x0;
	(pc) =	sbr.rel @p0 .LBB2_1-.Ltmp1, $4  }
0x78: {  	[sflag:s21] =	ssyncadd.s32 $0xFFFF8300  }
0x79: {  	_ =	swait.ge [sflag:s23], $0x7D00  }
0x7a: {  	[sflag:s23] =	ssyncset.done $0x0  }
0x7b: {  	[sflag:s23] =	ssyncadd.s32 $0xFFFF8300  }
0x7c: {  	_ =	sfence.sel $0x180000  }
0x7d: {  	[bflag:$0x0] =	sbarrier.arrive $0xFFFF  }
0x7e: {  	p0 =	sne.s32 s1, $0x0;
	_ =	strace $0x90000047  }
0x7f: {  	s0 =	sadd.s32 @!p0 $0x100000, s0;
	[bflag:$0x2] =	sbarrier.arrive $0xFFFF  }
0x80: {  	[sflag:s0] =	ssyncadd.tile.s32 @!p0 $0x1;
	_ =	shalt  }
.Lfunc_end2:
_tile_overlayer_lowered:
.L_overlay_start_2:
0x81: {  	(tag) =	ssettag $0x2  }
0x82: {  	s0 =	rddreg [dreg:$0x0];
	s2 =	stileid.u32  }
0x83: {  	s1 =	rddreg [dreg:$0x1];
	p0 =	sne.s32 s2, $0x0  }
0x84: {  	s3 =	rddreg [dreg:$0x2];
	[bflag:$0x3] =	sbarrier.arrive $0xFFFF;
	s2 =	simm.s32 @!p0 $0x1C05  }
0x85: {  	[timem:s3], [sflag:s2] =	dma.local @!p0 [hbm:s0], s1  }
0x86: {  	s0 =	simm.s32 @!p0 $0x5  }
0x87: {  	_ =	swait.ge @!p0 [sflag:s0], s1  }
0x88: {  	s1 =	ssub.s32 @!p0 $0x0, s1;
	[sflag:s0] =	ssyncset.done @!p0 $0x0  }
0x89: {  	[sflag:s0] =	ssyncadd.s32 @!p0 s1  }
0x8a: {  	[bflag:$0x3] =	sbarrier.arrive $0xFFFF  }
0x8b: {  	_ =	shalt  }

// kernel: kernel.7.cloned.1.call-start
scs
__scs_entry_jumppad:
0x0: {  	(pc) =	sbr.rel $0x88, $3  }
0x1: {  	(tag) =	ssettag $0x0;
	lr =	simm.s32 $0x1  }
0x2: {  	[smem:$0x3F99] =	sst lr;
	_ =	strace $0xD0000000  }
0x3: {  	_ = 	snop  }
0x4: {  	_ = 	snop  }
0x5: {  	_ = 	snop  }
0x6: {  	_ = 	snop  }
0x7: {  	_ = 	snop  }
__scs_overlays_trampoline_lowered:
0x8: {  	[smem:$0x3FA8] =	sst s0  }
0x9: {  	[smem:$0x3FA9] =	sst s1  }
0xa: {  	[smem:$0x3FAA] =	sst s2  }
0xb: {  	[smem:$0x3FAB] =	sst s3  }
0xc: {  	[smem:$0x3FAC] =	sst s4  }
0xd: {  	[smem:$0x3FAD] =	sst s5  }
0xe: {  	[smem:$0x3FAE] =	sst s6  }
0xf: {  	[smem:$0x3FAF] =	sst s7  }
0x10: {  	[smem:$0x3FB0] =	sst s8  }
0x11: {  	[smem:$0x3FB1] =	sst s9;
	s0 =	simm.s32 @!p0 $0x0  }
0x12: {  	s1 =	sld [smem:$0x3F97];
	s0 =	simm.s32 @p0 $0x1  }
0x13: {  	[smem:$0x3FB2] =	sst s0;
	s0 =	simm.s32 @!p1 $0x0  }
0x14: {  	s2 =	sld [smem:$0x3F96];
	s0 =	simm.s32 @p1 $0x1  }
0x15: {  	[smem:$0x3FB3] =	sst s0;
	s0 =	simm.s32 @!p2 $0x0  }
0x16: {  	s3 =	sld [smem:$0x3FDB];
	s0 =	simm.s32 @p2 $0x1  }
0x17: {  	s4 =	simm.s32 $0x1BF5;
	[smem:$0x3FB5] =	sst s0  }
0x18: {  	s0 =	sld [smem:$0x3F98];
	_ =	swait.ge [sflag:s4], $0x0  }
0x19: {  	s7 =	sld [smem:$0x3F99]  }
0x1a: {  	s8 =	sadd.s32 $0xFFFFE003, lr  }
0x1b: {  	s9 =	sadd.s32 $0xFFFFFEF7, lr;
	s5 =	simm.s32 $0xFFFFFFFF;
	p2 =	slt.u32 s8, $0xFFFFF086  }
0x1c: {  	p1 =	slt.u32 s9, $0xF7A;
	s5 =	simm.s32 @!p2 $0x0  }
0x1d: {  	s5 =	simm.s32 @p1 $0x1;
	p0 =	seq.s32 s7, s2  }
0x1e: {  	s7 =	smul.u32 @!p0 $0xF7A, s2;
	p2 =	seq.s32 @!p0 s5, $0x0  }
0x1f: {  	s9 =	smul.u32 $0xF7A, s1;
	s8 =	simm.s32 @!p0 $0x1BF5;
	p2 =	por !p2, p0  }
0x20: {  	[sflag:s8] =	ssyncset.s32 @!p0 $0xFFFFF086;
	s6 =	sadd.s32 @!p0 s3, s7;
	s7 =	simm.s32 @!p0 $0x108  }
0x21: {  	s3 =	sadd.s32 s3, s9;
	s6 =	sadd.s32 @!p0 $0x88, s6;
	s7 =	simm.s32 @p2 $0x1082  }
0x22: {  	[simem:s7], [sflag:s8] =	dma.local @!p0 [hbm:s6], $0xF7A  }
0x23: {  	s9 =	sor.u32 $0xD0000000, s2;
	s6 =	simm.s32 $0x108;
	_ =	swait.ge @!p0 [sflag:s8], $0x0  }
0x24: {  	s3 =	sadd.s32 $0x88, s3;
	s6 =	simm.s32 @!p1 $0x1082;
	[sflag:s4] =	ssyncset.s32 $0xFFFFF086  }
0x25: {  	[simem:s6], [sflag:s4] =	dma.local [hbm:s3], $0xF7A  }
0x26: {  	[smem:$0x3F99] =	sst s1;
	(tag) =	ssettag s2;
	_ =	strace s9  }
0x27: {  	s1 =	sld [smem:$0x3FA9]  }
0x28: {  	s2 =	sld [smem:$0x3FAA]  }
0x29: {  	s4 =	sld [smem:$0x3FAC]  }
0x2a: {  	p0 =	seq.s32 s5, $0x0;
	s5 =	sld [smem:$0x3FAD]  }
0x2b: {  	s6 =	sld [smem:$0x3FAE]  }
0x2c: {  	s7 =	sld [smem:$0x3FAF]  }
0x2d: {  	s3 =	simm.s32 $0x108;
	s8 =	sld [smem:$0x3FB0]  }
0x2e: {  	s3 =	simm.s32 @!p0 $0x1082;
	s9 =	sld [smem:$0x3FB1]  }
0x2f: {  	lr =	sadd.s32 s0, s3;
	s0 =	sld [smem:$0x3FA8]  }
0x30: {  	s3 =	sld [smem:$0x3FAB]  }
0x31: {  	[smem:$0x3FB4] =	sst s10  }
0x32: {  	s10 =	sld [smem:$0x3FB2];
	_ =	sdelay $0x3  }
0x33: {  	p0 =	seq.s32 s10, $0x1;
	s10 =	sld [smem:$0x3FB4];
	_ =	sdelay $0x3  }
0x34: {  	[smem:$0x3FB4] =	sst s10  }
0x35: {  	s10 =	sld [smem:$0x3FB3];
	_ =	sdelay $0x3  }
0x36: {  	p1 =	seq.s32 s10, $0x1;
	s10 =	sld [smem:$0x3FB4];
	_ =	sdelay $0x3  }
0x37: {  	[smem:$0x3FB4] =	sst s10  }
0x38: {  	s10 =	sld [smem:$0x3FB5]  }
0x39: {  	_ = 	snop;
	(pc) =	sbr.ind lr, $3  }
0x3a: {  	_ = 	snop  }
0x3b: {  	_ = 	snop  }
0x3c: {  	p2 =	seq.s32 s10, $0x1;
	s10 =	sld [smem:$0x3FB4]  }
0x3d: {  	_ =	shalt  }
0x3e: {  	_ =	shalt  }
0x3f: {  	_ =	shalt  }
0x40: {  	_ =	shalt  }
0x41: {  	_ =	shalt  }
0x42: {  	_ =	shalt  }
0x43: {  	_ =	shalt  }
0x44: {  	_ =	shalt  }
0x45: {  	_ =	shalt  }
0x46: {  	_ =	shalt  }
0x47: {  	_ =	shalt  }
0x48: {  	_ =	shalt  }
0x49: {  	_ =	shalt  }
0x4a: {  	_ =	shalt  }
0x4b: {  	_ =	shalt  }
0x4c: {  	_ =	shalt  }
0x4d: {  	_ =	shalt  }
0x4e: {  	_ =	shalt  }
0x4f: {  	_ =	shalt  }
0x50: {  	_ =	shalt  }
0x51: {  	_ =	shalt  }
0x52: {  	_ =	shalt  }
0x53: {  	_ =	shalt  }
0x54: {  	_ =	shalt  }
0x55: {  	_ =	shalt  }
0x56: {  	_ =	shalt  }
0x57: {  	_ =	shalt  }
0x58: {  	_ =	shalt  }
0x59: {  	_ =	shalt  }
0x5a: {  	_ =	shalt  }
0x5b: {  	_ =	shalt  }
0x5c: {  	_ =	shalt  }
0x5d: {  	_ =	shalt  }
0x5e: {  	_ =	shalt  }
0x5f: {  	_ =	shalt  }
0x60: {  	_ =	shalt  }
0x61: {  	_ =	shalt  }
0x62: {  	_ =	shalt  }
0x63: {  	_ =	shalt  }
0x64: {  	_ =	shalt  }
0x65: {  	_ =	shalt  }
0x66: {  	_ =	shalt  }
0x67: {  	_ =	shalt  }
0x68: {  	_ =	shalt  }
0x69: {  	_ =	shalt  }
0x6a: {  	_ =	shalt  }
0x6b: {  	_ =	shalt  }
0x6c: {  	_ =	shalt  }
0x6d: {  	_ =	shalt  }
0x6e: {  	_ =	shalt  }
0x6f: {  	_ =	shalt  }
0x70: {  	_ =	shalt  }
0x71: {  	_ =	shalt  }
0x72: {  	_ =	shalt  }
0x73: {  	_ =	shalt  }
0x74: {  	_ =	shalt  }
0x75: {  	_ =	shalt  }
0x76: {  	_ =	shalt  }
0x77: {  	_ =	shalt  }
0x78: {  	_ =	shalt  }
0x79: {  	_ =	shalt  }
0x7a: {  	_ =	shalt  }
0x7b: {  	_ =	shalt  }
0x7c: {  	_ =	shalt  }
0x7d: {  	_ =	shalt  }
0x7e: {  	_ =	shalt  }
0x7f: {  	_ =	shalt  }
0x80: {  	_ =	shalt  }
0x81: {  	_ =	shalt  }
0x82: {  	_ =	shalt  }
0x83: {  	_ =	shalt  }
0x84: {  	_ =	shalt  }
0x85: {  	_ =	shalt  }
0x86: {  	_ =	shalt  }
0x87: {  	_ =	shalt  }
.Lfunc_end0:
.L_simem_size_0:
called_computation_lowered:
.L_overlay_start_0:
0x88: {  	s2 =	sld [smem:$0x3FD9]  }
0x89: {  	s3 =	sld [smem:$0x3FFE];
	_ =	sdelay $0x1  }
0x8a: {  	s1 =	srdreg.scid  }
0x8b: {  	s0 =	sand.u32 $0x1, s1  }
0x8c: {  	s17 =	sshll.u32 s0, $0xA;
	s2 =	sadd.s32 s3, s2  }
0x8d: {  	s2 =	sadd.s32 s2, s17  }
0x8e: {  	[smem:$0x3FC0] =	sst s2  }
0x8f: {  	_ = 	snop  }
0x90: {  	(tm) =	ssettm $0x1  }
0x91: {  	s18 =	sld [smem:$0x3FFB];
	_ =	sdelay $0x3  }
0x92: {  	_ =	strace s18  }
0x93: {  	s2 =	sld [smem:$0x3FFC];
	_ =	sdelay $0x3  }
0x94: {  	_ =	strace s2  }
0x95: {  	s2 =	sld [smem:$0x3FFD];
	_ =	sdelay $0x3  }
0x96: {  	_ =	strace s2  }
0x97: {  	_ =	strace $0x8FFFFFFF  }
0x98: {  	s19 =	sld [smem:$0x3FDB];
	_ =	sdelay $0x1  }
0x99: {  	s20 =	simm.s32 $_scs_section_size  }
0x9a: {  	s4 =	simm.s32 $_size__tile_overlayer_lowered;
	s5 =	simm.s32 $_tile_overlayer_lowered  }
0x9b: {  	s6 =	simm.s32 $0x1BFF;
	s21 =	sshll.u32 s5, $0x1;
	s3 =	sadd.s32 s20, s19  }
0x9c: {  	s22 =	simm.s32 $0x0;
	s4 =	sshll.u32 s4, $0x1;
	s5 =	sadd.s32 s21, s3  }
0x9d: {  	[timem:s22], [sflag:s6] =	dma.local [hbm:s5], s4  }
0x9e: {  	_ =	swait.ge [sflag:s6], s4  }
0x9f: {  	s4 =	ssub.s32 $0x0, s4;
	[sflag:s6] =	ssyncset.done $0x0  }
0xa0: {  	[sflag:s6] =	ssyncadd.s32 s4;
	_ =	sdelay $0x1  }
0xa1: {  	s23 =	simm.s32 $0x1B8B  }
0xa2: {  	_ =	swait.ge [sflag:s23], $0x1  }
0xa3: {  	[sflag:s23] =	ssyncset.done $0x0  }
0xa4: {  	[sflag:s23] =	ssyncadd.s32 $0xFFFFFFFF  }
0xa5: {  	s4 =	sld [smem:$0x0]  }
0xa6: {  	s5 =	sand.u32 $0xFFFFFFFE, s1  }
0xa7: {  	p0 =	sne.s32 s1, s5  }
0xa8: {  	s5 =	sshll.u32 @p0 s5, $0xE  }
0xa9: {  	s5 =	sadd.s32 @p0 $0x11B8D, s5;
	s6 =	sshll.u32 @p0 s4, $0x11  }
0xaa: {  	s5 =	sor.u32 @p0 s6, s5  }
0xab: {  	[sflag:s5] =	ssyncadd.remote.s32 @p0 $0x1;
	_ =	sdelay $0x1  }
0xac: {  	s5 =	simm.s32 @p0 $0x1B8D  }
0xad: {  	_ =	swait.eq @p0 [sflag:s5], $0x1  }
0xae: {  	[sflag:s5] =	ssyncadd.s32 @p0 $0xFFFFFFFF  }
0xaf: {  	s6 =	sshll.u32 @!p0 s1, $0xE  }
0xb0: {  	s6 =	sor.u32 @!p0 $0x4000, s6;
	s5 =	simm.s32 @!p0 $0x1B8D  }
0xb1: {  	s4 =	sshll.u32 @!p0 s4, $0x11;
	s6 =	sadd.s32 @!p0 $0x11B8D, s6;
	_ =	swait.eq @!p0 [sflag:s5], $0x1  }
0xb2: {  	s4 =	sor.u32 @!p0 s4, s6;
	[sflag:s5] =	ssyncadd.s32 @!p0 $0xFFFFFFFF  }
0xb3: {  	s25 =	simm.s32 $0x1B8E;
	s24 =	sld [smem:$0x3FFE];
	[sflag:s4] =	ssyncadd.remote.s32 @!p0 $0x1  }
0xb4: {  	s26 =	simm.s32 $execute0_lowered;
	[smem:$0x3FD2] =	sst s25  }
0xb5: {  	s5 =	sshll.u32 s26, $0x1;
	_ =	strace $0x80000049;
	[dreg:$0x1] =	wrdreg $0xFFFFFFFF  }
0xb6: {  	s28 =	simm.s32 $_size_execute0_lowered;
	s3 =	sadd.s32 s3, s5;
	[dreg:$0x0] =	wrdreg $0x0  }
0xb7: {  	s5 =	sshll.u32 s28, $0x1;
	[dreg:$0x2] =	wrdreg s3  }
0xb8: {  	[dreg:$0x3] =	wrdreg s5  }
0xb9: {  	[dreg:$0x4] =	wrdreg $0xC0  }
0xba: {  	_ =	task [dreg:s22], $0x5FFFF  }
0xbb: {  	[dreg:$0x1] =	wrdreg $0xFFFFFFFF  }
0xbc: {  	[dreg:$0x0] =	wrdreg $0x60  }
0xbd: {  	[dreg:$0x2] =	wrdreg s24  }
0xbe: {  	[dreg:$0x3] =	wrdreg $0x9  }
0xbf: {  	_ =	task.clear_ibuf [dreg:s22], $0x4FFFF;
	_ =	strace $0x90000049  }
0xc0: {  	s29 =	simm.s32 $0x9;
	_ =	strace $0x8000004B  }
0xc1: {  	_ =	swait.ge [sflag:s29], $0x1  }
0xc2: {  	[sflag:s29] =	ssyncadd.s32 $0xFFFFFFFF  }
0xc3: {  	_ =	strace $0x9000004B  }
0xc4: {  	_ =	sfence  }
0xc5: {  	s30 =	sld [smem:$0x0];
	_ =	sdelay $0x2  }
0xc6: {  	s31 =	sshll.u32 s1, $0xD;
	s1 =	sshrl.u32 s1, $0x2  }
0xc7: {  	s4 =	sand.u32 $0x4000, s31;
	s1 =	sadd.s32 s1, s30  }
0xc8: {  	s0 =	sor.u32 s4, s0;
	s1 =	sshll.u32 s1, $0x11  }
0xc9: {  	s0 =	sor.u32 s1, s0  }
0xca: {  	s0 =	sadd.s32 $0x8F2B, s0  }
0xcb: {  	[sflag:s0] =	ssyncadd.remote.s32 $0x1  }
0xcc: {  	_ =	sfence.sel $0xFFFF  }
0xcd: {  	[dreg:$0x0] =	wrdreg $0xFFFFFFFF;
	(pc) =	sbr.abs _section_cstart, $3  }
0xce: {  	[dreg:$0x1] =	wrdreg $0xFFFFFFFF  }
0xcf: {  	_ =	task.clear_ibuf [dreg:s22], $0x2FFFF;
	_ =	strace $0x9FFFFFFF  }
0xd0: {  	(tm) =	ssettm $0x7FFFFFFF  }
0xd1: {  	_ =	shalt  }
tec
execute0_lowered:
.L_overlay_start_1:
0x0: {  	(tag) =	ssettag $0x1  }
0x1: {  	s4 =	rddreg [dreg:$0x0]  }
0x2: {  	s0 =	rddreg [dreg:$0x1];
	s2 =	simm.s32 $0x0;
	s1 =	stileid.u32  }
0x3: {  	s3 =	srdreg.scid;
	s21 =	simm.s32 $0x3;
	s16 =	smul.u32 $0x13880, s1  }
0x4: {  	s22 =	simm.s32 $0x2;
	s23 =	simm.s32 $0x4;
	s18 =	smul.u32 $0x4E20, s1  }
0x5: {  	s13 =	sand.u32 $0x1, s3;
	s3 =	sadd.s32 $0x14DC00, s4;
	s20 =	smul.u32 $0x9C4, s1  }
0x6: {  	[smem:$0x7FF] =	sst s2;
	s14 =	sadd.s32 $0x143E00, s4;
	s17 =	smul.u32 $0x9C40, s13  }
0x7: {  	s30 =	sshll.u32 s1, $0x1;
	s15 =	sadd.s32 $0x157A00, s4;
	s19 =	smul.u32 $0x2710, s13  }
0x8: {  	s5 =	sor.u32 s13, s30;
	s6 =	ssub.s32 $0x2, s13;
	s13 =	smul.u32 $0x4E2, s13  }
0x9: {  	s24 =	simm.s32 $0x0;
	_ =	strace $0x8000004A;
	s7 =	smul.u32 $0x4E2, s5  }
0xa: {  	s8 =	sshrl.u32 s6, $0x1;
	s9 =	smul.u32 $0x9C40, s5;
	s16 =	sadd.s32 s16, s15  }
0xb: {  	s31 =	ssub.s32 s6, s8;
	s18 =	sadd.s32 s19, s18;
	s16 =	sadd.s32 s17, s16  }
0xc: {  	s17 =	simm.s32 $0x3E8;
	s19 =	simm.s32 $0x84D0;
	s4 =	sadd.s32 s14, s7  }
0xd: {  	s5 =	smax.u32 s31, $0x1;
	s7 =	sadd.s32 s15, s9;
	s14 =	sadd.s32 s20, s14  }
0xe: {  	s18 =	sshll.u32 s18, $0x2;
	s20 =	simm.s32 $0x1;
	s6 =	sadd.s32 $0x7D, s4  }
0xf: {  	s8 =	sadd.s32 $0xFA, s4;
	s9 =	sadd.s32 $0xFA0, s7;
	s10 =	sadd.s32 $0x465, s4  }
0x10: {  	s11 =	sadd.s32 $0x7D00, s7;
	s12 =	sadd.s32 $0x8CA0, s7;
	s14 =	sadd.s32 s13, s14  }
0x11: {  	s15 =	sadd.s32 s15, s18;
	s13 =	sadd.s32 $0x1F40, s16;
	s16 =	simm.s32 $0x5  }
0x12: {  	s18 =	simm.s32 $0x7D0;
	s14 =	sadd.s32 $0x1F4, s14;
	s15 =	sadd.s32 $0x2EE0, s15  }
.LBB2_1:
0x13: {  	[tilespmem:s2], [sflag:$0x5] =	stream.linear.gather [hbm4b:s4+s2], $0x3E8, $0x38;
	[tilespmem:$0x101D0] =	vst v63  }
0x14: {  	_ =	swait.ge [sflag:s16], $0x3E8  }
0x15: {  	[sflag:s16] =	ssyncset.done $0x0  }
0x16: {  	[sflag:s16] =	ssyncadd.s32 $0xFFFFFC18  }
0x17: {  	[tilespmem:s18], [sflag:$0x1] =	stream.indirect.gather [hbm4b:s3+s17], $0x20, s2, s17, $0xb8;
	[tilespmem:$0x101D0] =	vst v63  }
0x18: {  	_ = 	snop  }
0x19: {  	[tilespmem:s17], [sflag:$0x5] =	stream.linear.gather [hbm4b:s6+s2], $0x3E8, $0x38;
	[tilespmem:$0x101D0] =	vst v63  }
0x1a: {  	_ =	swait.ge [sflag:s16], $0x3E8  }
0x1b: {  	[sflag:s16] =	ssyncset.done $0x0  }
0x1c: {  	[sflag:s16] =	ssyncadd.s32 $0xFFFFFC18  }
0x1d: {  	[tilespmem:s19], [sflag:$0x2] =	stream.indirect.gather [hbm4b:s3+s17], $0x20, s17, s17, $0xb8;
	[tilespmem:$0x101D0] =	vst v63  }
0x1e: {  	_ =	swait.ge [sflag:s20], $0x7D00  }
0x1f: {  	[sflag:s20] =	ssyncset.done $0x0  }
0x20: {  	[sflag:s20] =	ssyncadd.s32 $0xFFFF8300  }
0x21: {  	[hbm4b:s7+s2] =	stream.linear.scatter [tilespmem:s18], [sflag:$0x3], $0x7D00, $0x38;
	[tilespmem:$0x101D0] =	vst v63  }
0x22: {  	_ = 	snop  }
0x23: {  	[tilespmem:s2], [sflag:$0x5] =	stream.linear.gather [hbm4b:s8+s2], $0x3E8, $0x38;
	[tilespmem:$0x101D0] =	vst v63  }
0x24: {  	_ =	swait.ge [sflag:s16], $0x3E8  }
0x25: {  	[sflag:s16] =	ssyncset.done $0x0  }
0x26: {  	[sflag:s16] =	ssyncadd.s32 $0xFFFFFC18  }
0x27: {  	_ =	swait.ge [sflag:s21], $0x7D00  }
0x28: {  	[sflag:s21] =	ssyncset.done $0x0  }
0x29: {  	[sflag:s21] =	ssyncadd.s32 $0xFFFF8300  }
0x2a: {  	[tilespmem:s18], [sflag:$0x1] =	stream.indirect.gather [hbm4b:s3+s17], $0x20, s2, s17, $0xb8;
	[tilespmem:$0x101D0] =	vst v63  }
0x2b: {  	_ =	swait.ge [sflag:s22], $0x7D00  }
0x2c: {  	[sflag:s22] =	ssyncset.done $0x0  }
0x2d: {  	[sflag:s22] =	ssyncadd.s32 $0xFFFF8300  }
0x2e: {  	[hbm4b:s9+s2] =	stream.linear.scatter [tilespmem:s19], [sflag:$0x4], $0x7D00, $0x38;
	[tilespmem:$0x101D0] =	vst v63  }
0x2f: {  	s25 =	sadd.s32 $0xFFFFFF83, s14  }
0x30: {  	[tilespmem:s17], [sflag:$0x5] =	stream.linear.gather [hbm4b:s25+s2], $0x3E8, $0x38;
	[tilespmem:$0x101D0] =	vst v63  }
0x31: {  	_ =	swait.ge [sflag:s16], $0x3E8  }
0x32: {  	[sflag:s16] =	ssyncset.done $0x0  }
0x33: {  	[sflag:s16] =	ssyncadd.s32 $0xFFFFFC18  }
0x34: {  	_ =	swait.ge [sflag:s23], $0x7D00  }
0x35: {  	[sflag:s23] =	ssyncset.done $0x0  }
0x36: {  	[sflag:s23] =	ssyncadd.s32 $0xFFFF8300  }
0x37: {  	[tilespmem:s19], [sflag:$0x2] =	stream.indirect.gather [hbm4b:s3+s17], $0x20, s17, s17, $0xb8;
	[tilespmem:$0x101D0] =	vst v63  }
0x38: {  	_ =	swait.ge [sflag:s20], $0x7D00  }
0x39: {  	[sflag:s20] =	ssyncset.done $0x0  }
0x3a: {  	s31 =	sadd.s32 $0x0, s13;
	[sflag:s20] =	ssyncadd.s32 $0xFFFF8300  }
0x3b: {  	[hbm4b:s31+s2] =	stream.linear.scatter [tilespmem:s18], [sflag:$0x3], $0x7D00, $0x38;
	[tilespmem:$0x101D0] =	vst v63  }
0x3c: {  	_ = 	snop  }
0x3d: {  	[tilespmem:s2], [sflag:$0x5] =	stream.linear.gather [hbm4b:s14+s2], $0x3E8, $0x38;
	[tilespmem:$0x101D0] =	vst v63  }
0x3e: {  	_ =	swait.ge [sflag:s16], $0x3E8  }
0x3f: {  	[sflag:s16] =	ssyncset.done $0x0  }
0x40: {  	[sflag:s16] =	ssyncadd.s32 $0xFFFFFC18  }
0x41: {  	_ =	swait.ge [sflag:s21], $0x7D00  }
0x42: {  	[sflag:s21] =	ssyncset.done $0x0  }
0x43: {  	[sflag:s21] =	ssyncadd.s32 $0xFFFF8300  }
0x44: {  	[tilespmem:s18], [sflag:$0x1] =	stream.indirect.gather [hbm4b:s3+s17], $0x20, s2, s17, $0xb8;
	[tilespmem:$0x101D0] =	vst v63  }
0x45: {  	_ =	swait.ge [sflag:s22], $0x7D00  }
0x46: {  	s28 =	sadd.s32 $0x0, s15;
	[sflag:s22] =	ssyncset.done $0x0  }
0x47: {  	s26 =	sadd.s32 $0xFA, s14;
	s25 =	simm.s32 $0x1F40;
	[sflag:s22] =	ssyncadd.s32 $0xFFFF8300  }
.LBB2_2:
0x48: {  	[hbm4b:s28+s2] =	stream.linear.scatter [tilespmem:s19], [sflag:$0x4], $0x7D00, $0x38;
	[tilespmem:$0x101D0] =	vst v63  }
0x49: {  	s28 =	smov.u32 s25  }
0x4a: {  	s29 =	sadd.s32 $0xFFFFFF83, s26;
	p0 =	sne.s32 s25, $0x3E80;
	s25 =	sadd.s32 $0x1F40, s25  }
0x4b: {  	[tilespmem:s17], [sflag:$0x5] =	stream.linear.gather [hbm4b:s29+s2], $0x3E8, $0x38;
	[tilespmem:$0x101D0] =	vst v63  }
0x4c: {  	_ =	swait.ge [sflag:s16], $0x3E8  }
0x4d: {  	[sflag:s16] =	ssyncset.done $0x0  }
0x4e: {  	[sflag:s16] =	ssyncadd.s32 $0xFFFFFC18  }
0x4f: {  	_ =	swait.ge [sflag:s23], $0x7D00  }
0x50: {  	[sflag:s23] =	ssyncset.done $0x0  }
0x51: {  	[sflag:s23] =	ssyncadd.s32 $0xFFFF8300  }
0x52: {  	[tilespmem:s19], [sflag:$0x2] =	stream.indirect.gather [hbm4b:s3+s17], $0x20, s17, s17, $0xb8;
	[tilespmem:$0x101D0] =	vst v63  }
0x53: {  	_ =	swait.ge [sflag:s20], $0x7D00  }
0x54: {  	[sflag:s20] =	ssyncset.done $0x0  }
0x55: {  	s29 =	sadd.s32 s28, s13;
	[sflag:s20] =	ssyncadd.s32 $0xFFFF8300  }
0x56: {  	[hbm4b:s29+s2] =	stream.linear.scatter [tilespmem:s18], [sflag:$0x3], $0x7D00, $0x38;
	[tilespmem:$0x101D0] =	vst v63  }
0x57: {  	_ = 	snop  }
0x58: {  	[tilespmem:s2], [sflag:$0x5] =	stream.linear.gather [hbm4b:s26+s2], $0x3E8, $0x38;
	[tilespmem:$0x101D0] =	vst v63  }
0x59: {  	_ =	swait.ge [sflag:s16], $0x3E8  }
0x5a: {  	[sflag:s16] =	ssyncset.done $0x0  }
0x5b: {  	[sflag:s16] =	ssyncadd.s32 $0xFFFFFC18  }
0x5c: {  	_ =	swait.ge [sflag:s21], $0x7D00  }
0x5d: {  	[sflag:s21] =	ssyncset.done $0x0  }
.Ltmp0:
0x5e: {  	[sflag:s21] =	ssyncadd.s32 $0xFFFF8300;
	(pc) =	sbr.rel @p0 .LBB2_2-.Ltmp0, $4  }
0x5f: {  	[tilespmem:s18], [sflag:$0x1] =	stream.indirect.gather [hbm4b:s3+s17], $0x20, s2, s17, $0xb8;
	[tilespmem:$0x101D0] =	vst v63  }
0x60: {  	_ =	swait.ge [sflag:s22], $0x7D00  }
0x61: {  	[sflag:s22] =	ssyncset.done $0x0  }
0x62: {  	s28 =	sadd.s32 s28, s15;
	s26 =	sadd.s32 $0xFA, s26;
	[sflag:s22] =	ssyncadd.s32 $0xFFFF8300  }
0x63: {  	[hbm4b:s28+s2] =	stream.linear.scatter [tilespmem:s19], [sflag:$0x4], $0x7D00, $0x38;
	[tilespmem:$0x101D0] =	vst v63  }
0x64: {  	_ = 	snop  }
0x65: {  	[tilespmem:s17], [sflag:$0x5] =	stream.linear.gather [hbm4b:s10+s2], $0x3E8, $0x38;
	[tilespmem:$0x101D0] =	vst v63  }
0x66: {  	_ =	swait.ge [sflag:s16], $0x3E8  }
0x67: {  	[sflag:s16] =	ssyncset.done $0x0  }
0x68: {  	[sflag:s16] =	ssyncadd.s32 $0xFFFFFC18  }
0x69: {  	_ =	swait.ge [sflag:s23], $0x7D00  }
0x6a: {  	[sflag:s23] =	ssyncset.done $0x0  }
0x6b: {  	[sflag:s23] =	ssyncadd.s32 $0xFFFF8300  }
0x6c: {  	[tilespmem:s19], [sflag:$0x2] =	stream.indirect.gather [hbm4b:s3+s17], $0x20, s17, s17, $0xb8;
	[tilespmem:$0x101D0] =	vst v63  }
0x6d: {  	_ =	swait.ge [sflag:s20], $0x7D00  }
0x6e: {  	[sflag:s20] =	ssyncset.done $0x0  }
0x6f: {  	[sflag:s20] =	ssyncadd.s32 $0xFFFF8300  }
0x70: {  	[hbm4b:s11+s2] =	stream.linear.scatter [tilespmem:s18], [sflag:$0x3], $0x7D00, $0x38;
	[tilespmem:$0x101D0] =	vst v63  }
0x71: {  	_ =	swait.ge [sflag:s22], $0x7D00  }
0x72: {  	[sflag:s22] =	ssyncset.done $0x0  }
0x73: {  	s24 =	sadd.s32 $0x1, s24;
	[sflag:s22] =	ssyncadd.s32 $0xFFFF8300  }
0x74: {  	[hbm4b:s12+s2] =	stream.linear.scatter [tilespmem:s19], [sflag:$0x4], $0x7D00, $0x38;
	[tilespmem:$0x101D0] =	vst v63  }
0x75: {  	p0 =	sne.s32 s24, s5;
	_ =	swait.ge [sflag:s21], $0x7D00  }
.Ltmp1:
0x76: {  	[sflag:s21] =	ssyncset.done $0x0;
	(pc) =	sbr.rel @p0 .LBB2_1-.Ltmp1, $4  }
0x77: {  	[sflag:s21] =	ssyncadd.s32 $0xFFFF8300  }
0x78: {  	_ =	swait.ge [sflag:s23], $0x7D00  }
0x79: {  	[sflag:s23] =	ssyncset.done $0x0  }
0x7a: {  	[sflag:s23] =	ssyncadd.s32 $0xFFFF8300  }
0x7b: {  	_ =	sfence.sel $0x180000  }
0x7c: {  	[bflag:$0x0] =	sbarrier.arrive $0xFFFF  }
0x7d: {  	p0 =	sne.s32 s1, $0x0;
	_ =	strace $0x9000004A  }
0x7e: {  	s0 =	sadd.s32 @!p0 $0x100000, s0;
	[bflag:$0x2] =	sbarrier.arrive $0xFFFF  }
0x7f: {  	[sflag:s0] =	ssyncadd.tile.s32 @!p0 $0x1;
	_ =	shalt  }
.Lfunc_end2:
_tile_overlayer_lowered:
.L_overlay_start_2:
0x80: {  	(tag) =	ssettag $0x2  }
0x81: {  	s0 =	rddreg [dreg:$0x0];
	s2 =	stileid.u32  }
0x82: {  	s1 =	rddreg [dreg:$0x1];
	p0 =	sne.s32 s2, $0x0  }
0x83: {  	s3 =	rddreg [dreg:$0x2];
	[bflag:$0x3] =	sbarrier.arrive $0xFFFF;
	s2 =	simm.s32 @!p0 $0x1C05  }
0x84: {  	[timem:s3], [sflag:s2] =	dma.local @!p0 [hbm:s0], s1  }
0x85: {  	s0 =	simm.s32 @!p0 $0x5  }
0x86: {  	_ =	swait.ge @!p0 [sflag:s0], s1  }
0x87: {  	s1 =	ssub.s32 @!p0 $0x0, s1;
	[sflag:s0] =	ssyncset.done @!p0 $0x0  }
0x88: {  	[sflag:s0] =	ssyncadd.s32 @!p0 s1  }
0x89: {  	[bflag:$0x3] =	sbarrier.arrive $0xFFFF  }
0x8a: {  	_ =	shalt  }

</sc_bundles>
